<compile_context>
chip_gen: v7x
topology: tpu7x:2x2x1
jax: 0.10.2.dev20260603
libtpu: 0.0.44.dev20260713+nightly
codegen_flags: <defaults>
</compile_context>

<pallas_src>
import functools

import jax
import jax.numpy as jnp
from jax import lax
from jax.experimental import pallas as pl
from jax.experimental.pallas import tpu as pltpu
from jax.experimental.pallas import tpu_sc as plsc

B, L, V, D, H = 8, 512, 100000, 128, 128
H2 = H // 2
G = 4 * H2
KNN = 10
NC, NS = 2, 16
NW = NC * NS
ROWS_PER_W = (2 * B * L) // NW


@functools.lru_cache(maxsize=1)
def _make_sc_gather():
    mesh = plsc.VectorSubcoreMesh(core_axis_name="c", subcore_axis_name="s")

    @functools.partial(
        pl.kernel,
        mesh=mesh,
        out_type=jax.ShapeDtypeStruct((2 * B * L, D), jnp.float32),
        scratch_types=[
            pltpu.VMEM((ROWS_PER_W,), jnp.int32),
            pltpu.VMEM((ROWS_PER_W, D), jnp.float32),
            pltpu.SemaphoreType.DMA,
        ],
    )
    def sc_gather(table_hbm, idx_hbm, out_hbm, idx_v, rows_v, sem):
        wid = lax.axis_index("s") * NC + lax.axis_index("c")
        base = wid * ROWS_PER_W
        pltpu.sync_copy(idx_hbm.at[pl.ds(base, ROWS_PER_W)], idx_v)
        pltpu.async_copy(table_hbm.at[idx_v], rows_v, sem).wait()
        pltpu.sync_copy(rows_v, out_hbm.at[pl.ds(base, ROWS_PER_W)])

    return sc_gather


def _sc_gather(table, idx):
    return _make_sc_gather()(table, idx)


_UNROLL = 8
_PRE_CHUNK = 256
GW = 4 * H


def _lstm_body(raw_ref, wifp_ref, wibp_ref, bcat_ref, wbig_ref,
               hf_ref, hb_ref, xpf_ref, xpb_ref):
    wbig = wbig_ref[...]

    def pre(i, _):
        blk = raw_ref[pl.ds(i * _PRE_CHUNK, _PRE_CHUNK)]
        xpf_ref[pl.ds(i * _PRE_CHUNK, _PRE_CHUNK)] = jnp.dot(
            blk, wifp_ref[...],
            preferred_element_type=jnp.float32) + bcat_ref[...]
        xpb_ref[pl.ds(i * _PRE_CHUNK, _PRE_CHUNK)] = jnp.dot(
            blk, wibp_ref[...], preferred_element_type=jnp.float32)
        return 0

    lax.fori_loop(0, (B * L) // _PRE_CHUNK, pre, 0)

    def step(t, hc, cc):
        tb = L - 1 - t
        g = (xpf_ref[pl.ds(t * B, B)] + xpb_ref[pl.ds(tb * B, B)]
             + jnp.dot(hc, wbig, preferred_element_type=jnp.float32))
        gi = jax.nn.sigmoid(g[:, 0:H])
        gf = jax.nn.sigmoid(g[:, H:2 * H])
        gg = jnp.tanh(g[:, 2 * H:3 * H])
        go = jax.nn.sigmoid(g[:, 3 * H:4 * H])
        cc = gf * cc + gi * gg
        hc = go * jnp.tanh(cc)
        hf_ref[:, pl.ds(t, 1), :] = hc[:, None, :]
        hb_ref[:, pl.ds(tb, 1), :] = hc[:, None, :]
        return hc, cc

    def body(i, carry):
        hc, cc = carry
        for j in range(_UNROLL):
            hc, cc = step(i * _UNROLL + j, hc, cc)
        return hc, cc

    z = jnp.zeros((B, H), jnp.float32)
    lax.fori_loop(0, L // _UNROLL, body, (z, z))


def _lstm_call(raw2, wifp, wibp, bcat, wbig):
    out = jax.ShapeDtypeStruct((B, L, H), jnp.float32)
    return pl.pallas_call(
        _lstm_body,
        out_shape=(out, out),
        scratch_shapes=[
            pltpu.VMEM((B * L, GW), jnp.float32),
            pltpu.VMEM((B * L, GW), jnp.float32),
        ],
    )(raw2, wifp, wibp, bcat, wbig)


def _interleave_cols(wf, wb):
    K = wf.shape[0]
    zf = jnp.zeros((K, 4, H2), jnp.float32)
    top = jnp.concatenate([wf.reshape(K, 4, H2), zf], axis=2)
    bot = jnp.concatenate([zf, wb.reshape(K, 4, H2)], axis=2)
    return top.reshape(K, GW), bot.reshape(K, GW)


def _graph_body(lens_ref, raw_ref, hf_ref, hb_ref, w1f_ref, w1b_ref, b1_ref,
                w2_ref, b2_ref, lin_ref, out_ref, att_ref):
    bidx = pl.program_id(0)
    n = lens_ref[bidx]
    raw_b = raw_ref[0]
    hf_b = hf_ref[0]
    hb_b = hb_ref[0]

    iota_r = lax.broadcasted_iota(jnp.int32, (L, 1), 0)
    iota_c = lax.broadcasted_iota(jnp.int32, (1, L), 1)
    mask_r = (iota_r < n).astype(jnp.float32)
    mask_c = (iota_c < n).astype(jnp.float32)

    att = lax.dot_general(raw_b, raw_b, (((1,), (1,)), ((), ())),
                          preferred_element_type=jnp.float32)
    att_ref[...] = att * mask_r * mask_c

    row_ids = lax.broadcasted_iota(jnp.int32, (L, L), 0)
    minrows = []
    for _ in range(KNN):
        a = att_ref[...]
        colmax = jnp.max(a, axis=0, keepdims=True)
        eq = a == colmax
        cand = jnp.where(eq, row_ids, L)
        minrow = jnp.min(cand, axis=0, keepdims=True)
        minrows.append(minrow)
        att_ref[...] = jnp.where(row_ids == minrow, -3e38, a)

    adjT = (row_ids == minrows[0]).astype(jnp.float32)
    for minrow in minrows[1:]:
        adjT = adjT + (row_ids == minrow).astype(jnp.float32)

    ones_col = jnp.ones((L, 1), jnp.float32)
    deg = jnp.dot(adjT, ones_col, preferred_element_type=jnp.float32)
    r = lax.rsqrt(jnp.maximum(deg, 1e-12)) * mask_r

    y1 = (jnp.dot(hf_b, w1f_ref[...], preferred_element_type=jnp.float32)
          + jnp.dot(hb_b, w1b_ref[...], preferred_element_type=jnp.float32))
    s1 = jnp.dot(adjT, y1 * r, preferred_element_type=jnp.float32)
    x1 = jnp.maximum(s1 * r + b1_ref[...], 0.0)

    y2 = jnp.dot(x1, w2_ref[...], preferred_element_type=jnp.float32)
    s2 = jnp.dot(adjT, y2 * r, preferred_element_type=jnp.float32)
    x2 = s2 * r + b2_ref[...]

    gv = jnp.max(x2, axis=0, keepdims=True)
    val = jnp.sum(gv * lin_ref[...])
    out_ref[...] = jnp.broadcast_to(jax.nn.sigmoid(val), (1, 1, H))


def _graph_call(lens, raw, hf, hb, w1f, w1b, b1, w2, b2, lin_w):
    full2 = lambda shape: pl.BlockSpec(shape, lambda b: (0, 0))
    return pl.pallas_call(
        _graph_body,
        grid=(B,),
        in_specs=[
            pl.BlockSpec(memory_space=pltpu.SMEM),
            pl.BlockSpec((1, L, D), lambda b: (b, 0, 0)),
            pl.BlockSpec((1, L, H), lambda b: (b, 0, 0)),
            pl.BlockSpec((1, L, H), lambda b: (b, 0, 0)),
            full2((H, H)),
            full2((H, H)),
            full2((1, H)),
            full2((H, H)),
            full2((1, H)),
            full2((1, H)),
        ],
        out_specs=pl.BlockSpec((1, 1, H), lambda b: (b, 0, 0)),
        out_shape=jax.ShapeDtypeStruct((B, 1, H), jnp.float32),
        scratch_shapes=[pltpu.VMEM((L, L), jnp.float32)],
        compiler_params=pltpu.CompilerParams(
            dimension_semantics=("arbitrary",)),
    )(lens, raw, hf, hb, w1f, w1b, b1, w2, b2, lin_w)


def kernel(context, context_lens, word_embed, W_ih_f, W_hh_f, b_f,
           W_ih_b, W_hh_b, b_b, gcn_w1, gcn_b1, gcn_w2, gcn_b2, lin_w):
    ctx32 = context.astype(jnp.int32)
    idx = jnp.concatenate([ctx32.T.reshape(-1), ctx32.reshape(-1)])
    raw_all = _sc_gather(word_embed, idx)
    raw2 = raw_all[:B * L]
    rawb = raw_all[B * L:].reshape(B, L, D)

    wifp, wibp = _interleave_cols(W_ih_f.T, W_ih_b.T)
    bcat = jnp.concatenate(
        [b_f.reshape(4, H2), b_b.reshape(4, H2)], axis=1).reshape(1, GW)
    whf_t, whb_t = _interleave_cols(W_hh_f.T, W_hh_b.T)
    wbig = jnp.concatenate([whf_t, whb_t], axis=0)
    hf, hb = _lstm_call(raw2, wifp, wibp, bcat, wbig)

    zh = jnp.zeros((H2, H), jnp.float32)
    w1f = jnp.concatenate([gcn_w1[0:H2], zh], axis=0)
    w1b = jnp.concatenate([zh, gcn_w1[H2:H]], axis=0)

    out = _graph_call(
        context_lens.astype(jnp.int32), rawb, hf, hb,
        w1f, w1b, gcn_b1[None], gcn_w2, gcn_b2[None], lin_w,
    )
    return out.reshape(B, H)[:, 0]

# --- scband reference (transcript-rebuilt; emitter-appended) ---
"""Pipeline reference for scband-eeggraph-regression-83958020702655 (READ-ONLY COPY).

The authoritative reference and input builder live on the scoring server;
editing this copy changes nothing except your own understanding.
"""

import jax, jax.numpy as jnp
import numpy as np

B, L, V, D, H = 8, 512, 100000, 128, 128
H2 = H // 2
KNN = 10
VERY_SMALL_NUMBER = 1e-12


def _lstm(x, Wih, Whh, b):
    h0 = jnp.zeros((x.shape[0], Whh.shape[1]), x.dtype)

    def step(carry, xt):
        h, c = carry
        gates = xt @ Wih.T + h @ Whh.T + b
        i, f, g, o = jnp.split(gates, 4, axis=-1)
        c = jax.nn.sigmoid(f) * c + jax.nn.sigmoid(i) * jnp.tanh(g)
        h = jax.nn.sigmoid(o) * jnp.tanh(c)
        return (h, c), h

    _, hs = jax.lax.scan(step, (h0, h0), jnp.swapaxes(x, 0, 1))
    return jnp.swapaxes(hs, 0, 1)


def setup_inputs(seed: int = 0):
    key = jax.random.key(seed)
    ks = jax.random.split(key, 16)
    sH = 1.0 / np.sqrt(H)
    s2 = 1.0 / np.sqrt(H2)
    return {
        'context': jax.random.randint(ks[0], (B, L), 0, V),
        'context_lens': jax.random.randint(ks[1], (B,), L // 2, L + 1),
        'word_embed': jax.random.normal(ks[2], (V, D), jnp.float32) * 0.02,
        'W_ih_f': jax.random.uniform(ks[3], (4 * H2, D), jnp.float32, -s2, s2),
        'W_hh_f': jax.random.uniform(ks[4], (4 * H2, H2), jnp.float32, -s2, s2),
        'b_f': jnp.zeros((4 * H2,), jnp.float32),
        'W_ih_b': jax.random.uniform(ks[5], (4 * H2, D), jnp.float32, -s2, s2),
        'W_hh_b': jax.random.uniform(ks[6], (4 * H2, H2), jnp.float32, -s2, s2),
        'b_b': jnp.zeros((4 * H2,), jnp.float32),
        'gcn_w1': jax.random.uniform(ks[7], (H, H), jnp.float32, -sH, sH),
        'gcn_b1': jnp.zeros((H,), jnp.float32),
        'gcn_w2': jax.random.uniform(ks[8], (H, H), jnp.float32, -sH, sH),
        'gcn_b2': jnp.zeros((H,), jnp.float32),
        'lin_w': jax.random.uniform(ks[9], (1, H), jnp.float32, -sH, sH),
    }


def _forward(context, context_lens, word_embed, W_ih_f, W_hh_f, b_f, W_ih_b, W_hh_b, b_b,
             gcn_w1, gcn_b1, gcn_w2, gcn_b2, lin_w):
    mask = (jnp.arange(L)[None, :] < context_lens[:, None]).astype(jnp.float32)
    # word embedding lookup (memory-bound gather)
    raw = word_embed[context]
    # bidirectional LSTM encoder (each direction H//2, concat -> H)
    hf = _lstm(raw, W_ih_f, W_hh_f, b_f)
    hb = _lstm(raw[:, ::-1, :], W_ih_b, W_hh_b, b_b)[:, ::-1, :]
    ctx = jnp.concatenate([hf, hb], axis=-1)
    # init adjacency: binarized kNN graph on detached raw embeddings
    feat = jax.lax.stop_gradient(raw)
    att = jnp.einsum('bld,bmd->blm', feat, feat)
    att = att * mask[:, None, :] * mask[:, :, None]
    _, knn_idx = jax.lax.top_k(att, KNN)
    b_idx = jnp.arange(B)[:, None, None]
    n_idx = jnp.arange(L)[None, :, None]
    adj = jnp.zeros((B, L, L), jnp.float32).at[b_idx, n_idx, knn_idx].set(1.0)
    # batch symmetric normalization D^-1/2 A D^-1/2 with mask
    rowsum = jnp.clip(adj.sum(axis=1), VERY_SMALL_NUMBER, None)
    r = (rowsum ** -0.5) * mask
    a1 = adj * r[:, None, :]
    adj_n = jnp.swapaxes(a1, 1, 2) * r[:, None, :]
    # 2-hop GCN: out = adj @ (x @ W) + b
    x = jax.nn.relu(jnp.einsum('blm,bmh->blh', adj_n, ctx @ gcn_w1) + gcn_b1)
    x = jnp.einsum('blm,bmh->blh', adj_n, x @ gcn_w2) + gcn_b2
    # graph maxpool over nodes, linear head, sigmoid
    graph_vec = x.max(axis=1)
    out = (graph_vec @ lin_w.T)[:, 0]
    return jax.nn.sigmoid(out)


def reference(context, context_lens, word_embed, W_ih_f, W_hh_f, b_f, W_ih_b, W_hh_b, b_b,
              gcn_w1, gcn_b1, gcn_w2, gcn_b2, lin_w):
    return _forward(context, context_lens, word_embed, W_ih_f, W_hh_f, b_f, W_ih_b, W_hh_b, b_b,
                    gcn_w1, gcn_b1, gcn_w2, gcn_b2, lin_w)

if __name__ == "__main__":
    import jax
    _d = setup_inputs()
    print(jax.jit(kernel)(*tuple(_d.values())))

</pallas_src>

<mosaic_0001>
#map = affine_map<(d0, d1) -> (0, 0)>
#map1 = affine_map<(d0, d1) -> (0)>
module attributes {stable_mosaic.version = 14 : i64} {
  func.func @sc_gather(%arg0: i32, %arg1: i32, %arg2: memref<100000x128xf32, #tpu.memory_space<hbm>>, %arg3: memref<8192xi32, #tpu.memory_space<hbm>>, %arg4: memref<8192x128xf32, #tpu.memory_space<hbm>>, %arg5: memref<256xi32, #tpu.memory_space<vmem>>, %arg6: memref<256x128xf32, #tpu.memory_space<vmem>>, %arg7: memref<!tpu.dma_semaphore, #tpu.memory_space<semaphore_mem>>) attributes {dimension_semantics = [#tpu.dimension_semantics<core_parallel>, #tpu.dimension_semantics<subcore_parallel>], iteration_bounds = array<i64: 2, 16>, scalar_prefetch = 0 : i64, scratch_operands = 3 : i64, tpu.core_type = #tpu.core_type<sc_vector_subcore>, window_params = [{transform_indices = #map}, {transform_indices = #map1}, {transform_indices = #map}]} {
    %mul3A = arith.constant 2 : i32
    %mul3A_0 = arith.muli %arg1, %mul3A : i32
    %add3A = arith.addi %mul3A_0, %arg0 : i32
    %mul3A_1 = arith.constant 256 : i32
    %mul3A_2 = arith.muli %add3A, %mul3A_1 : i32
    "tpu.region"() ({
      %run_scoped3A = tpu.sem_alloc : memref<!tpu.dma_semaphore, #tpu.memory_space<semaphore_mem>>
      %dma_start3A_7 = tpu.memref_slice %arg3[%mul3A_2] : memref<8192xi32, #tpu.memory_space<hbm>> -> memref<256xi32, #tpu.memory_space<hbm>>
      %dma_start3A_8 = tpu.memref_slice %arg3[%mul3A_2] : memref<8192xi32, #tpu.memory_space<hbm>> -> memref<256xi32, #tpu.memory_space<hbm>>
      tpu.enqueue_dma source(%dma_start3A_8 : memref<256xi32, #tpu.memory_space<hbm>>) target(%arg5 : memref<256xi32, #tpu.memory_space<vmem>>) target_semaphore(%run_scoped3A : memref<!tpu.dma_semaphore, #tpu.memory_space<semaphore_mem>>)
      %dma_wait3A_9 = tpu.memref_slice %arg3[%mul3A_2] : memref<8192xi32, #tpu.memory_space<hbm>> -> memref<256xi32, #tpu.memory_space<hbm>>
      %dma_wait3A_10 = tpu.memref_slice %arg3[%mul3A_2] : memref<8192xi32, #tpu.memory_space<hbm>> -> memref<256xi32, #tpu.memory_space<hbm>>
      tpu.wait_dma2 semaphore(%run_scoped3A : memref<!tpu.dma_semaphore, #tpu.memory_space<semaphore_mem>>) src(%dma_wait3A_10 : memref<256xi32, #tpu.memory_space<hbm>>) dst(%arg5 : memref<256xi32, #tpu.memory_space<vmem>>)
      tpu.yield
    }) : () -> ()
    %dma_start3A = arith.constant 0 : i32
    %dma_start3A_3 = arith.constant 0 : i32
    %dma_start3A_4 = tpu.memref_slice %arg2[%dma_start3A, %dma_start3A_3] : memref<100000x128xf32, #tpu.memory_space<hbm>> -> memref<100000x128xf32, #tpu.memory_space<hbm>>
    tpu.enqueue_indirect_dma source(%dma_start3A_4 : memref<100000x128xf32, #tpu.memory_space<hbm>>) target(%arg6 : memref<256x128xf32, #tpu.memory_space<vmem>>) offsets(%arg5 : memref<256xi32, #tpu.memory_space<vmem>>) semaphore(%arg7 : memref<!tpu.dma_semaphore, #tpu.memory_space<semaphore_mem>>)
    %dma_wait3A = arith.constant 0 : i32
    %dma_wait3A_5 = arith.constant 0 : i32
    %dma_wait3A_6 = tpu.memref_slice %arg2[%dma_wait3A, %dma_wait3A_5] : memref<100000x128xf32, #tpu.memory_space<hbm>> -> memref<100000x128xf32, #tpu.memory_space<hbm>>
    tpu.wait_indirect_dma semaphore(%arg7 : memref<!tpu.dma_semaphore, #tpu.memory_space<semaphore_mem>>) src(%dma_wait3A_6 : memref<100000x128xf32, #tpu.memory_space<hbm>>) dst(%arg6 : memref<256x128xf32, #tpu.memory_space<vmem>>)
    "tpu.region"() ({
      %run_scoped3A = tpu.sem_alloc : memref<!tpu.dma_semaphore, #tpu.memory_space<semaphore_mem>>
      %dma_start3A_7 = arith.constant 0 : i32
      %dma_start3A_8 = tpu.memref_slice %arg4[%mul3A_2, %dma_start3A_7] : memref<8192x128xf32, #tpu.memory_space<hbm>> -> memref<256x128xf32, #tpu.memory_space<hbm>>
      %dma_start3A_9 = arith.constant 0 : i32
      %dma_start3A_10 = tpu.memref_slice %arg4[%mul3A_2, %dma_start3A_9] : memref<8192x128xf32, #tpu.memory_space<hbm>> -> memref<256x128xf32, #tpu.memory_space<hbm>>
      tpu.enqueue_dma source(%arg6 : memref<256x128xf32, #tpu.memory_space<vmem>>) target(%dma_start3A_10 : memref<256x128xf32, #tpu.memory_space<hbm>>) target_semaphore(%run_scoped3A : memref<!tpu.dma_semaphore, #tpu.memory_space<semaphore_mem>>)
      %dma_wait3A_11 = arith.constant 0 : i32
      %dma_wait3A_12 = tpu.memref_slice %arg4[%mul3A_2, %dma_wait3A_11] : memref<8192x128xf32, #tpu.memory_space<hbm>> -> memref<256x128xf32, #tpu.memory_space<hbm>>
      %dma_wait3A_13 = arith.constant 0 : i32
      %dma_wait3A_14 = tpu.memref_slice %arg4[%mul3A_2, %dma_wait3A_13] : memref<8192x128xf32, #tpu.memory_space<hbm>> -> memref<256x128xf32, #tpu.memory_space<hbm>>
      tpu.wait_dma2 semaphore(%run_scoped3A : memref<!tpu.dma_semaphore, #tpu.memory_space<semaphore_mem>>) src(%arg6 : memref<256x128xf32, #tpu.memory_space<vmem>>) dst(%dma_wait3A_14 : memref<256x128xf32, #tpu.memory_space<hbm>>)
      tpu.yield
    }) : () -> ()
    return
  }
}

module attributes {stable_mosaic.version = 14 : i64} {
  func.func @_lstm_body(%arg0: memref<4096x128xf32, #tpu.memory_space<vmem>>, %arg1: memref<128x512xf32, #tpu.memory_space<vmem>>, %arg2: memref<128x512xf32, #tpu.memory_space<vmem>>, %arg3: memref<1x512xf32, #tpu.memory_space<vmem>>, %arg4: memref<128x512xf32, #tpu.memory_space<vmem>>, %arg5: memref<8x512x128xf32, #tpu.memory_space<vmem>>, %arg6: memref<8x512x128xf32, #tpu.memory_space<vmem>>, %arg7: memref<4096x512xf32, #tpu.memory_space<vmem>>, %arg8: memref<4096x512xf32, #tpu.memory_space<vmem>>) attributes {dimension_semantics = [], scalar_prefetch = 0 : i64, scratch_operands = 2 : i64, tpu.core_type = #tpu.core_type<tc>} {
    %get3A = arith.constant 0 : index
    %get3A_0 = arith.constant 0 : index
    %get3A_1 = vector.load %arg4[%get3A, %get3A_0] : memref<128x512xf32, #tpu.memory_space<vmem>>, vector<128x512xf32>
    %scan3A = arith.constant 0 : i32
    %scan3A_2 = arith.constant 16 : i32
    %scan3A_3 = arith.addi %scan3A, %scan3A_2 : i32
    %scan3A_4 = arith.constant 1 : i32
    scf.for %scan3A_13 = %scan3A to %scan3A_3 step %scan3A_4  : i32 {
      %mul3A = arith.constant 256 : i32
      %mul3A_14 = arith.muli %scan3A_13, %mul3A : i32
      %get3A_15 = arith.index_cast %mul3A_14 : i32 to index
      %get3A_16 = arith.constant 0 : index
      %get3A_17 = vector.load %arg0[%get3A_15, %get3A_16] : memref<4096x128xf32, #tpu.memory_space<vmem>>, vector<256x128xf32>
      %get3A_18 = arith.constant 0 : index
      %get3A_19 = arith.constant 0 : index
      %get3A_20 = vector.load %arg1[%get3A_18, %get3A_19] : memref<128x512xf32, #tpu.memory_space<vmem>>, vector<128x512xf32>
      %dot_general3A = arith.constant dense<0.000000e+00> : vector<256x512xf32>
      %dot_general3A_21 = tpu.matmul %get3A_17, %get3A_20, %dot_general3A {dimension_numbers = #tpu.dot_dimension_numbers<[1], [0], [0], [1], [0, 0, 1, 1], [], []>, transpose_lhs_hint = false} : vector<256x128xf32>, vector<128x512xf32>, vector<256x512xf32> -> vector<256x512xf32>
      %get3A_22 = arith.constant 0 : index
      %get3A_23 = arith.constant 0 : index
      %get3A_24 = vector.load %arg3[%get3A_22, %get3A_23] : memref<1x512xf32, #tpu.memory_space<vmem>>, vector<1x512xf32>
      %add3A = vector.broadcast %get3A_24 : vector<1x512xf32> to vector<256x512xf32>
      %add3A_25 = arith.addf %dot_general3A_21, %add3A : vector<256x512xf32>
      %mul3A_26 = arith.constant 256 : i32
      %mul3A_27 = arith.muli %scan3A_13, %mul3A_26 : i32
      %swap3A = arith.index_cast %mul3A_27 : i32 to index
      %swap3A_28 = arith.constant 0 : index
      %swap3A_29 = vector.load %arg7[%swap3A, %swap3A_28] : memref<4096x512xf32, #tpu.memory_space<vmem>>, vector<256x512xf32>
      tpu.vector_store %arg7[%swap3A, %swap3A_28], %add3A_25 {strides = array<i32>} : memref<4096x512xf32, #tpu.memory_space<vmem>>, vector<256x512xf32>,
      %get3A_30 = arith.constant 0 : index
      %get3A_31 = arith.constant 0 : index
      %get3A_32 = vector.load %arg2[%get3A_30, %get3A_31] : memref<128x512xf32, #tpu.memory_space<vmem>>, vector<128x512xf32>
      %dot_general3A_33 = arith.constant dense<0.000000e+00> : vector<256x512xf32>
      %dot_general3A_34 = tpu.matmul %get3A_17, %get3A_32, %dot_general3A_33 {dimension_numbers = #tpu.dot_dimension_numbers<[1], [0], [0], [1], [0, 0, 1, 1], [], []>, transpose_lhs_hint = false} : vector<256x128xf32>, vector<128x512xf32>, vector<256x512xf32> -> vector<256x512xf32>
      %mul3A_35 = arith.constant 256 : i32
      %mul3A_36 = arith.muli %scan3A_13, %mul3A_35 : i32
      %swap3A_37 = arith.index_cast %mul3A_36 : i32 to index
      %swap3A_38 = arith.constant 0 : index
      %swap3A_39 = vector.load %arg8[%swap3A_37, %swap3A_38] : memref<4096x512xf32, #tpu.memory_space<vmem>>, vector<256x512xf32>
      tpu.vector_store %arg8[%swap3A_37, %swap3A_38], %dot_general3A_34 {strides = array<i32>} : memref<4096x512xf32, #tpu.memory_space<vmem>>, vector<256x512xf32>,
    }
    %scan3A_5 = arith.constant 16 : i32
    %broadcast_in_dim3A = arith.constant 0.000000e+00 : f32
    %broadcast_in_dim3A_6 = vector.broadcast %broadcast_in_dim3A : f32 to vector<8x128xf32>
    %scan3A_7 = arith.constant 0 : i32
    %scan3A_8 = arith.constant 64 : i32
    %scan3A_9 = arith.addi %scan3A_7, %scan3A_8 : i32
    %scan3A_10 = arith.constant 1 : i32
    %scan3A_11:2 = scf.for %scan3A_13 = %scan3A_7 to %scan3A_9 step %scan3A_10 iter_args(%scan3A_14 = %broadcast_in_dim3A_6, %scan3A_15 = %broadcast_in_dim3A_6) -> (vector<8x128xf32>, vector<8x128xf32>)  : i32 {
      %mul3A = arith.constant 8 : i32
      %mul3A_16 = arith.muli %scan3A_13, %mul3A : i32
      %add3A = arith.constant 0 : i32
      %add3A_17 = arith.addi %mul3A_16, %add3A : i32
      %sub3A = arith.constant 511 : i32
      %sub3A_18 = arith.subi %sub3A, %add3A_17 : i32
      %mul3A_19 = arith.constant 8 : i32
      %mul3A_20 = arith.muli %add3A_17, %mul3A_19 : i32
      %get3A_21 = arith.index_cast %mul3A_20 : i32 to index
      %get3A_22 = arith.constant 0 : index
      %get3A_23 = vector.load %arg7[%get3A_21, %get3A_22] : memref<4096x512xf32, #tpu.memory_space<vmem>>, vector<8x512xf32>
      %mul3A_24 = arith.constant 8 : i32
      %mul3A_25 = arith.muli %sub3A_18, %mul3A_24 : i32
      %get3A_26 = arith.index_cast %mul3A_25 : i32 to index
      %get3A_27 = arith.constant 0 : index
      %get3A_28 = vector.load %arg8[%get3A_26, %get3A_27] : memref<4096x512xf32, #tpu.memory_space<vmem>>, vector<8x512xf32>
      %add3A_29 = arith.addf %get3A_23, %get3A_28 : vector<8x512xf32>
      %dot_general3A = arith.constant dense<0.000000e+00> : vector<8x512xf32>
      %dot_general3A_30 = tpu.matmul %scan3A_14, %get3A_1, %dot_general3A {dimension_numbers = #tpu.dot_dimension_numbers<[1], [0], [0], [1], [0, 0, 1, 1], [], []>, transpose_lhs_hint = false} : vector<8x128xf32>, vector<128x512xf32>, vector<8x512xf32> -> vector<8x512xf32>
      %add3A_31 = arith.addf %add3A_29, %dot_general3A_30 : vector<8x512xf32>
      %slice3A = vector.extract_strided_slice %add3A_31 {offsets = [0, 0], sizes = [8, 128], strides = [1, 1]} : vector<8x512xf32> to vector<8x128xf32>
      %logistic3A = arith.negf %slice3A : vector<8x128xf32>
      %logistic3A_32 = math.exp %logistic3A : vector<8x128xf32>
      %logistic3A_33 = arith.constant 1.000000e+00 : f32
      %logistic3A_34 = vector.broadcast %logistic3A_33 : f32 to vector<8x128xf32>
      %logistic3A_35 = arith.addf %logistic3A_34, %logistic3A_32 : vector<8x128xf32>
      %logistic3A_36 = arith.divf %logistic3A_34, %logistic3A_35 : vector<8x128xf32>
      %slice3A_37 = vector.extract_strided_slice %add3A_31 {offsets = [0, 128], sizes = [8, 128], strides = [1, 1]} : vector<8x512xf32> to vector<8x128xf32>
      %logistic3A_38 = arith.negf %slice3A_37 : vector<8x128xf32>
      %logistic3A_39 = math.exp %logistic3A_38 : vector<8x128xf32>
      %logistic3A_40 = arith.constant 1.000000e+00 : f32
      %logistic3A_41 = vector.broadcast %logistic3A_40 : f32 to vector<8x128xf32>
      %logistic3A_42 = arith.addf %logistic3A_41, %logistic3A_39 : vector<8x128xf32>
      %logistic3A_43 = arith.divf %logistic3A_41, %logistic3A_42 : vector<8x128xf32>
      %slice3A_44 = vector.extract_strided_slice %add3A_31 {offsets = [0, 256], sizes = [8, 128], strides = [1, 1]} : vector<8x512xf32> to vector<8x128xf32>
      %tanh3A = math.tanh %slice3A_44 : vector<8x128xf32>
      %slice3A_45 = vector.extract_strided_slice %add3A_31 {offsets = [0, 384], sizes = [8, 128], strides = [1, 1]} : vector<8x512xf32> to vector<8x128xf32>
      %logistic3A_46 = arith.negf %slice3A_45 : vector<8x128xf32>
      %logistic3A_47 = math.exp %logistic3A_46 : vector<8x128xf32>
      %logistic3A_48 = arith.constant 1.000000e+00 : f32
      %logistic3A_49 = vector.broadcast %logistic3A_48 : f32 to vector<8x128xf32>
      %logistic3A_50 = arith.addf %logistic3A_49, %logistic3A_47 : vector<8x128xf32>
      %logistic3A_51 = arith.divf %logistic3A_49, %logistic3A_50 : vector<8x128xf32>
      %mul3A_52 = arith.mulf %logistic3A_43, %scan3A_15 : vector<8x128xf32>
      %mul3A_53 = arith.mulf %logistic3A_36, %tanh3A : vector<8x128xf32>
      %add3A_54 = arith.addf %mul3A_52, %mul3A_53 : vector<8x128xf32>
      %tanh3A_55 = math.tanh %add3A_54 : vector<8x128xf32>
      %mul3A_56 = arith.mulf %logistic3A_51, %tanh3A_55 : vector<8x128xf32>
      %broadcast_in_dim3A_57 = vector.shape_cast %mul3A_56 : vector<8x128xf32> to vector<8x1x128xf32>
      %swap3A = arith.constant 0 : index
      %swap3A_58 = arith.index_cast %add3A_17 : i32 to index
      %swap3A_59 = arith.constant 0 : index
      %swap3A_60 = vector.load %arg5[%swap3A, %swap3A_58, %swap3A_59] : memref<8x512x128xf32, #tpu.memory_space<vmem>>, vector<8x1x128xf32>
      tpu.vector_store %arg5[%swap3A, %swap3A_58, %swap3A_59], %broadcast_in_dim3A_57 {strides = array<i32>} : memref<8x512x128xf32, #tpu.memory_space<vmem>>, vector<8x1x128xf32>,
      %broadcast_in_dim3A_61 = vector.shape_cast %mul3A_56 : vector<8x128xf32> to vector<8x1x128xf32>
      %swap3A_62 = arith.constant 0 : index
      %swap3A_63 = arith.index_cast %sub3A_18 : i32 to index
      %swap3A_64 = arith.constant 0 : index
      %swap3A_65 = vector.load %arg6[%swap3A_62, %swap3A_63, %swap3A_64] : memref<8x512x128xf32, #tpu.memory_space<vmem>>, vector<8x1x128xf32>
      tpu.vector_store %arg6[%swap3A_62, %swap3A_63, %swap3A_64], %broadcast_in_dim3A_61 {strides = array<i32>} : memref<8x512x128xf32, #tpu.memory_space<vmem>>, vector<8x1x128xf32>,
      %mul3A_66 = arith.constant 8 : i32
      %mul3A_67 = arith.muli %scan3A_13, %mul3A_66 : i32
      %add3A_68 = arith.constant 1 : i32
      %add3A_69 = arith.addi %mul3A_67, %add3A_68 : i32
      %sub3A_70 = arith.constant 511 : i32
      %sub3A_71 = arith.subi %sub3A_70, %add3A_69 : i32
      %mul3A_72 = arith.constant 8 : i32
      %mul3A_73 = arith.muli %add3A_69, %mul3A_72 : i32
      %get3A_74 = arith.index_cast %mul3A_73 : i32 to index
      %get3A_75 = arith.constant 0 : index
      %get3A_76 = vector.load %arg7[%get3A_74, %get3A_75] : memref<4096x512xf32, #tpu.memory_space<vmem>>, vector<8x512xf32>
      %mul3A_77 = arith.constant 8 : i32
      %mul3A_78 = arith.muli %sub3A_71, %mul3A_77 : i32
      %get3A_79 = arith.index_cast %mul3A_78 : i32 to index
      %get3A_80 = arith.constant 0 : index
      %get3A_81 = vector.load %arg8[%get3A_79, %get3A_80] : memref<4096x512xf32, #tpu.memory_space<vmem>>, vector<8x512xf32>
      %add3A_82 = arith.addf %get3A_76, %get3A_81 : vector<8x512xf32>
      %dot_general3A_83 = arith.constant dense<0.000000e+00> : vector<8x512xf32>
      %dot_general3A_84 = tpu.matmul %mul3A_56, %get3A_1, %dot_general3A_83 {dimension_numbers = #tpu.dot_dimension_numbers<[1], [0], [0], [1], [0, 0, 1, 1], [], []>, transpose_lhs_hint = false} : vector<8x128xf32>, vector<128x512xf32>, vector<8x512xf32> -> vector<8x512xf32>
      %add3A_85 = arith.addf %add3A_82, %dot_general3A_84 : vector<8x512xf32>
      %slice3A_86 = vector.extract_strided_slice %add3A_85 {offsets = [0, 0], sizes = [8, 128], strides = [1, 1]} : vector<8x512xf32> to vector<8x128xf32>
      %logistic3A_87 = arith.negf %slice3A_86 : vector<8x128xf32>
      %logistic3A_88 = math.exp %logistic3A_87 : vector<8x128xf32>
      %logistic3A_89 = arith.constant 1.000000e+00 : f32
      %logistic3A_90 = vector.broadcast %logistic3A_89 : f32 to vector<8x128xf32>
      %logistic3A_91 = arith.addf %logistic3A_90, %logistic3A_88 : vector<8x128xf32>
      %logistic3A_92 = arith.divf %logistic3A_90, %logistic3A_91 : vector<8x128xf32>
      %slice3A_93 = vector.extract_strided_slice %add3A_85 {offsets = [0, 128], sizes = [8, 128], strides = [1, 1]} : vector<8x512xf32> to vector<8x128xf32>
      %logistic3A_94 = arith.negf %slice3A_93 : vector<8x128xf32>
      %logistic3A_95 = math.exp %logistic3A_94 : vector<8x128xf32>
      %logistic3A_96 = arith.constant 1.000000e+00 : f32
      %logistic3A_97 = vector.broadcast %logistic3A_96 : f32 to vector<8x128xf32>
      %logistic3A_98 = arith.addf %logistic3A_97, %logistic3A_95 : vector<8x128xf32>
      %logistic3A_99 = arith.divf %logistic3A_97, %logistic3A_98 : vector<8x128xf32>
      %slice3A_100 = vector.extract_strided_slice %add3A_85 {offsets = [0, 256], sizes = [8, 128], strides = [1, 1]} : vector<8x512xf32> to vector<8x128xf32>
      %tanh3A_101 = math.tanh %slice3A_100 : vector<8x128xf32>
      %slice3A_102 = vector.extract_strided_slice %add3A_85 {offsets = [0, 384], sizes = [8, 128], strides = [1, 1]} : vector<8x512xf32> to vector<8x128xf32>
      %logistic3A_103 = arith.negf %slice3A_102 : vector<8x128xf32>
      %logistic3A_104 = math.exp %logistic3A_103 : vector<8x128xf32>
      %logistic3A_105 = arith.constant 1.000000e+00 : f32
      %logistic3A_106 = vector.broadcast %logistic3A_105 : f32 to vector<8x128xf32>
      %logistic3A_107 = arith.addf %logistic3A_106, %logistic3A_104 : vector<8x128xf32>
      %logistic3A_108 = arith.divf %logistic3A_106, %logistic3A_107 : vector<8x128xf32>
      %mul3A_109 = arith.mulf %logistic3A_99, %add3A_54 : vector<8x128xf32>
      %mul3A_110 = arith.mulf %logistic3A_92, %tanh3A_101 : vector<8x128xf32>
      %add3A_111 = arith.addf %mul3A_109, %mul3A_110 : vector<8x128xf32>
      %tanh3A_112 = math.tanh %add3A_111 : vector<8x128xf32>
      %mul3A_113 = arith.mulf %logistic3A_108, %tanh3A_112 : vector<8x128xf32>
      %broadcast_in_dim3A_114 = vector.shape_cast %mul3A_113 : vector<8x128xf32> to vector<8x1x128xf32>
      %swap3A_115 = arith.constant 0 : index
      %swap3A_116 = arith.index_cast %add3A_69 : i32 to index
      %swap3A_117 = arith.constant 0 : index
      %swap3A_118 = vector.load %arg5[%swap3A_115, %swap3A_116, %swap3A_117] : memref<8x512x128xf32, #tpu.memory_space<vmem>>, vector<8x1x128xf32>
      tpu.vector_store %arg5[%swap3A_115, %swap3A_116, %swap3A_117], %broadcast_in_dim3A_114 {strides = array<i32>} : memref<8x512x128xf32, #tpu.memory_space<vmem>>, vector<8x1x128xf32>,
      %broadcast_in_dim3A_119 = vector.shape_cast %mul3A_113 : vector<8x128xf32> to vector<8x1x128xf32>
      %swap3A_120 = arith.constant 0 : index
      %swap3A_121 = arith.index_cast %sub3A_71 : i32 to index
      %swap3A_122 = arith.constant 0 : index
      %swap3A_123 = vector.load %arg6[%swap3A_120, %swap3A_121, %swap3A_122] : memref<8x512x128xf32, #tpu.memory_space<vmem>>, vector<8x1x128xf32>
      tpu.vector_store %arg6[%swap3A_120, %swap3A_121, %swap3A_122], %broadcast_in_dim3A_119 {strides = array<i32>} : memref<8x512x128xf32, #tpu.memory_space<vmem>>, vector<8x1x128xf32>,
      %mul3A_124 = arith.constant 8 : i32
      %mul3A_125 = arith.muli %scan3A_13, %mul3A_124 : i32
      %add3A_126 = arith.constant 2 : i32
      %add3A_127 = arith.addi %mul3A_125, %add3A_126 : i32
      %sub3A_128 = arith.constant 511 : i32
      %sub3A_129 = arith.subi %sub3A_128, %add3A_127 : i32
      %mul3A_130 = arith.constant 8 : i32
      %mul3A_131 = arith.muli %add3A_127, %mul3A_130 : i32
      %get3A_132 = arith.index_cast %mul3A_131 : i32 to index
      %get3A_133 = arith.constant 0 : index
      %get3A_134 = vector.load %arg7[%get3A_132, %get3A_133] : memref<4096x512xf32, #tpu.memory_space<vmem>>, vector<8x512xf32>
      %mul3A_135 = arith.constant 8 : i32
      %mul3A_136 = arith.muli %sub3A_129, %mul3A_135 : i32
      %get3A_137 = arith.index_cast %mul3A_136 : i32 to index
      %get3A_138 = arith.constant 0 : index
      %get3A_139 = vector.load %arg8[%get3A_137, %get3A_138] : memref<4096x512xf32, #tpu.memory_space<vmem>>, vector<8x512xf32>
      %add3A_140 = arith.addf %get3A_134, %get3A_139 : vector<8x512xf32>
      %dot_general3A_141 = arith.constant dense<0.000000e+00> : vector<8x512xf32>
      %dot_general3A_142 = tpu.matmul %mul3A_113, %get3A_1, %dot_general3A_141 {dimension_numbers = #tpu.dot_dimension_numbers<[1], [0], [0], [1], [0, 0, 1, 1], [], []>, transpose_lhs_hint = false} : vector<8x128xf32>, vector<128x512xf32>, vector<8x512xf32> -> vector<8x512xf32>
      %add3A_143 = arith.addf %add3A_140, %dot_general3A_142 : vector<8x512xf32>
      %slice3A_144 = vector.extract_strided_slice %add3A_143 {offsets = [0, 0], sizes = [8, 128], strides = [1, 1]} : vector<8x512xf32> to vector<8x128xf32>
      %logistic3A_145 = arith.negf %slice3A_144 : vector<8x128xf32>
      %logistic3A_146 = math.exp %logistic3A_145 : vector<8x128xf32>
      %logistic3A_147 = arith.constant 1.000000e+00 : f32
      %logistic3A_148 = vector.broadcast %logistic3A_147 : f32 to vector<8x128xf32>
      %logistic3A_149 = arith.addf %logistic3A_148, %logistic3A_146 : vector<8x128xf32>
      %logistic3A_150 = arith.divf %logistic3A_148, %logistic3A_149 : vector<8x128xf32>
      %slice3A_151 = vector.extract_strided_slice %add3A_143 {offsets = [0, 128], sizes = [8, 128], strides = [1, 1]} : vector<8x512xf32> to vector<8x128xf32>
      %logistic3A_152 = arith.negf %slice3A_151 : vector<8x128xf32>
      %logistic3A_153 = math.exp %logistic3A_152 : vector<8x128xf32>
      %logistic3A_154 = arith.constant 1.000000e+00 : f32
      %logistic3A_155 = vector.broadcast %logistic3A_154 : f32 to vector<8x128xf32>
      %logistic3A_156 = arith.addf %logistic3A_155, %logistic3A_153 : vector<8x128xf32>
      %logistic3A_157 = arith.divf %logistic3A_155, %logistic3A_156 : vector<8x128xf32>
      %slice3A_158 = vector.extract_strided_slice %add3A_143 {offsets = [0, 256], sizes = [8, 128], strides = [1, 1]} : vector<8x512xf32> to vector<8x128xf32>
      %tanh3A_159 = math.tanh %slice3A_158 : vector<8x128xf32>
      %slice3A_160 = vector.extract_strided_slice %add3A_143 {offsets = [0, 384], sizes = [8, 128], strides = [1, 1]} : vector<8x512xf32> to vector<8x128xf32>
      %logistic3A_161 = arith.negf %slice3A_160 : vector<8x128xf32>
      %logistic3A_162 = math.exp %logistic3A_161 : vector<8x128xf32>
      %logistic3A_163 = arith.constant 1.000000e+00 : f32
      %logistic3A_164 = vector.broadcast %logistic3A_163 : f32 to vector<8x128xf32>
      %logistic3A_165 = arith.addf %logistic3A_164, %logistic3A_162 : vector<8x128xf32>
      %logistic3A_166 = arith.divf %logistic3A_164, %logistic3A_165 : vector<8x128xf32>
      %mul3A_167 = arith.mulf %logistic3A_157, %add3A_111 : vector<8x128xf32>
      %mul3A_168 = arith.mulf %logistic3A_150, %tanh3A_159 : vector<8x128xf32>
      %add3A_169 = arith.addf %mul3A_167, %mul3A_168 : vector<8x128xf32>
      %tanh3A_170 = math.tanh %add3A_169 : vector<8x128xf32>
      %mul3A_171 = arith.mulf %logistic3A_166, %tanh3A_170 : vector<8x128xf32>
      %broadcast_in_dim3A_172 = vector.shape_cast %mul3A_171 : vector<8x128xf32> to vector<8x1x128xf32>
      %swap3A_173 = arith.constant 0 : index
      %swap3A_174 = arith.index_cast %add3A_127 : i32 to index
      %swap3A_175 = arith.constant 0 : index
      %swap3A_176 = vector.load %arg5[%swap3A_173, %swap3A_174, %swap3A_175] : memref<8x512x128xf32, #tpu.memory_space<vmem>>, vector<8x1x128xf32>
      tpu.vector_store %arg5[%swap3A_173, %swap3A_174, %swap3A_175], %broadcast_in_dim3A_172 {strides = array<i32>} : memref<8x512x128xf32, #tpu.memory_space<vmem>>, vector<8x1x128xf32>,
      %broadcast_in_dim3A_177 = vector.shape_cast %mul3A_171 : vector<8x128xf32> to vector<8x1x128xf32>
      %swap3A_178 = arith.constant 0 : index
      %swap3A_179 = arith.index_cast %sub3A_129 : i32 to index
      %swap3A_180 = arith.constant 0 : index
      %swap3A_181 = vector.load %arg6[%swap3A_178, %swap3A_179, %swap3A_180] : memref<8x512x128xf32, #tpu.memory_space<vmem>>, vector<8x1x128xf32>
      tpu.vector_store %arg6[%swap3A_178, %swap3A_179, %swap3A_180], %broadcast_in_dim3A_177 {strides = array<i32>} : memref<8x512x128xf32, #tpu.memory_space<vmem>>, vector<8x1x128xf32>,
      %mul3A_182 = arith.constant 8 : i32
      %mul3A_183 = arith.muli %scan3A_13, %mul3A_182 : i32
      %add3A_184 = arith.constant 3 : i32
      %add3A_185 = arith.addi %mul3A_183, %add3A_184 : i32
      %sub3A_186 = arith.constant 511 : i32
      %sub3A_187 = arith.subi %sub3A_186, %add3A_185 : i32
      %mul3A_188 = arith.constant 8 : i32
      %mul3A_189 = arith.muli %add3A_185, %mul3A_188 : i32
      %get3A_190 = arith.index_cast %mul3A_189 : i32 to index
      %get3A_191 = arith.constant 0 : index
      %get3A_192 = vector.load %arg7[%get3A_190, %get3A_191] : memref<4096x512xf32, #tpu.memory_space<vmem>>, vector<8x512xf32>
      %mul3A_193 = arith.constant 8 : i32
      %mul3A_194 = arith.muli %sub3A_187, %mul3A_193 : i32
      %get3A_195 = arith.index_cast %mul3A_194 : i32 to index
      %get3A_196 = arith.constant 0 : index
      %get3A_197 = vector.load %arg8[%get3A_195, %get3A_196] : memref<4096x512xf32, #tpu.memory_space<vmem>>, vector<8x512xf32>
      %add3A_198 = arith.addf %get3A_192, %get3A_197 : vector<8x512xf32>
      %dot_general3A_199 = arith.constant dense<0.000000e+00> : vector<8x512xf32>
      %dot_general3A_200 = tpu.matmul %mul3A_171, %get3A_1, %dot_general3A_199 {dimension_numbers = #tpu.dot_dimension_numbers<[1], [0], [0], [1], [0, 0, 1, 1], [], []>, transpose_lhs_hint = false} : vector<8x128xf32>, vector<128x512xf32>, vector<8x512xf32> -> vector<8x512xf32>
      %add3A_201 = arith.addf %add3A_198, %dot_general3A_200 : vector<8x512xf32>
      %slice3A_202 = vector.extract_strided_slice %add3A_201 {offsets = [0, 0], sizes = [8, 128], strides = [1, 1]} : vector<8x512xf32> to vector<8x128xf32>
      %logistic3A_203 = arith.negf %slice3A_202 : vector<8x128xf32>
      %logistic3A_204 = math.exp %logistic3A_203 : vector<8x128xf32>
      %logistic3A_205 = arith.constant 1.000000e+00 : f32
      %logistic3A_206 = vector.broadcast %logistic3A_205 : f32 to vector<8x128xf32>
      %logistic3A_207 = arith.addf %logistic3A_206, %logistic3A_204 : vector<8x128xf32>
      %logistic3A_208 = arith.divf %logistic3A_206, %logistic3A_207 : vector<8x128xf32>
      %slice3A_209 = vector.extract_strided_slice %add3A_201 {offsets = [0, 128], sizes = [8, 128], strides = [1, 1]} : vector<8x512xf32> to vector<8x128xf32>
      %logistic3A_210 = arith.negf %slice3A_209 : vector<8x128xf32>
      %logistic3A_211 = math.exp %logistic3A_210 : vector<8x128xf32>
      %logistic3A_212 = arith.constant 1.000000e+00 : f32
      %logistic3A_213 = vector.broadcast %logistic3A_212 : f32 to vector<8x128xf32>
      %logistic3A_214 = arith.addf %logistic3A_213, %logistic3A_211 : vector<8x128xf32>
      %logistic3A_215 = arith.divf %logistic3A_213, %logistic3A_214 : vector<8x128xf32>
      %slice3A_216 = vector.extract_strided_slice %add3A_201 {offsets = [0, 256], sizes = [8, 128], strides = [1, 1]} : vector<8x512xf32> to vector<8x128xf32>
      %tanh3A_217 = math.tanh %slice3A_216 : vector<8x128xf32>
      %slice3A_218 = vector.extract_strided_slice %add3A_201 {offsets = [0, 384], sizes = [8, 128], strides = [1, 1]} : vector<8x512xf32> to vector<8x128xf32>
      %logistic3A_219 = arith.negf %slice3A_218 : vector<8x128xf32>
      %logistic3A_220 = math.exp %logistic3A_219 : vector<8x128xf32>
      %logistic3A_221 = arith.constant 1.000000e+00 : f32
      %logistic3A_222 = vector.broadcast %logistic3A_221 : f32 to vector<8x128xf32>
      %logistic3A_223 = arith.addf %logistic3A_222, %logistic3A_220 : vector<8x128xf32>
      %logistic3A_224 = arith.divf %logistic3A_222, %logistic3A_223 : vector<8x128xf32>
      %mul3A_225 = arith.mulf %logistic3A_215, %add3A_169 : vector<8x128xf32>
      %mul3A_226 = arith.mulf %logistic3A_208, %tanh3A_217 : vector<8x128xf32>
      %add3A_227 = arith.addf %mul3A_225, %mul3A_226 : vector<8x128xf32>
      %tanh3A_228 = math.tanh %add3A_227 : vector<8x128xf32>
      %mul3A_229 = arith.mulf %logistic3A_224, %tanh3A_228 : vector<8x128xf32>
      %broadcast_in_dim3A_230 = vector.shape_cast %mul3A_229 : vector<8x128xf32> to vector<8x1x128xf32>
      %swap3A_231 = arith.constant 0 : index
      %swap3A_232 = arith.index_cast %add3A_185 : i32 to index
      %swap3A_233 = arith.constant 0 : index
      %swap3A_234 = vector.load %arg5[%swap3A_231, %swap3A_232, %swap3A_233] : memref<8x512x128xf32, #tpu.memory_space<vmem>>, vector<8x1x128xf32>
      tpu.vector_store %arg5[%swap3A_231, %swap3A_232, %swap3A_233], %broadcast_in_dim3A_230 {strides = array<i32>} : memref<8x512x128xf32, #tpu.memory_space<vmem>>, vector<8x1x128xf32>,
      %broadcast_in_dim3A_235 = vector.shape_cast %mul3A_229 : vector<8x128xf32> to vector<8x1x128xf32>
      %swap3A_236 = arith.constant 0 : index
      %swap3A_237 = arith.index_cast %sub3A_187 : i32 to index
      %swap3A_238 = arith.constant 0 : index
      %swap3A_239 = vector.load %arg6[%swap3A_236, %swap3A_237, %swap3A_238] : memref<8x512x128xf32, #tpu.memory_space<vmem>>, vector<8x1x128xf32>
      tpu.vector_store %arg6[%swap3A_236, %swap3A_237, %swap3A_238], %broadcast_in_dim3A_235 {strides = array<i32>} : memref<8x512x128xf32, #tpu.memory_space<vmem>>, vector<8x1x128xf32>,
      %mul3A_240 = arith.constant 8 : i32
      %mul3A_241 = arith.muli %scan3A_13, %mul3A_240 : i32
      %add3A_242 = arith.constant 4 : i32
      %add3A_243 = arith.addi %mul3A_241, %add3A_242 : i32
      %sub3A_244 = arith.constant 511 : i32
      %sub3A_245 = arith.subi %sub3A_244, %add3A_243 : i32
      %mul3A_246 = arith.constant 8 : i32
      %mul3A_247 = arith.muli %add3A_243, %mul3A_246 : i32
      %get3A_248 = arith.index_cast %mul3A_247 : i32 to index
      %get3A_249 = arith.constant 0 : index
      %get3A_250 = vector.load %arg7[%get3A_248, %get3A_249] : memref<4096x512xf32, #tpu.memory_space<vmem>>, vector<8x512xf32>
      %mul3A_251 = arith.constant 8 : i32
      %mul3A_252 = arith.muli %sub3A_245, %mul3A_251 : i32
      %get3A_253 = arith.index_cast %mul3A_252 : i32 to index
      %get3A_254 = arith.constant 0 : index
      %get3A_255 = vector.load %arg8[%get3A_253, %get3A_254] : memref<4096x512xf32, #tpu.memory_space<vmem>>, vector<8x512xf32>
      %add3A_256 = arith.addf %get3A_250, %get3A_255 : vector<8x512xf32>
      %dot_general3A_257 = arith.constant dense<0.000000e+00> : vector<8x512xf32>
      %dot_general3A_258 = tpu.matmul %mul3A_229, %get3A_1, %dot_general3A_257 {dimension_numbers = #tpu.dot_dimension_numbers<[1], [0], [0], [1], [0, 0, 1, 1], [], []>, transpose_lhs_hint = false} : vector<8x128xf32>, vector<128x512xf32>, vector<8x512xf32> -> vector<8x512xf32>
      %add3A_259 = arith.addf %add3A_256, %dot_general3A_258 : vector<8x512xf32>
      %slice3A_260 = vector.extract_strided_slice %add3A_259 {offsets = [0, 0], sizes = [8, 128], strides = [1, 1]} : vector<8x512xf32> to vector<8x128xf32>
      %logistic3A_261 = arith.negf %slice3A_260 : vector<8x128xf32>
      %logistic3A_262 = math.exp %logistic3A_261 : vector<8x128xf32>
      %logistic3A_263 = arith.constant 1.000000e+00 : f32
      %logistic3A_264 = vector.broadcast %logistic3A_263 : f32 to vector<8x128xf32>
      %logistic3A_265 = arith.addf %logistic3A_264, %logistic3A_262 : vector<8x128xf32>
      %logistic3A_266 = arith.divf %logistic3A_264, %logistic3A_265 : vector<8x128xf32>
      %slice3A_267 = vector.extract_strided_slice %add3A_259 {offsets = [0, 128], sizes = [8, 128], strides = [1, 1]} : vector<8x512xf32> to vector<8x128xf32>
      %logistic3A_268 = arith.negf %slice3A_267 : vector<8x128xf32>
      %logistic3A_269 = math.exp %logistic3A_268 : vector<8x128xf32>
      %logistic3A_270 = arith.constant 1.000000e+00 : f32
      %logistic3A_271 = vector.broadcast %logistic3A_270 : f32 to vector<8x128xf32>
      %logistic3A_272 = arith.addf %logistic3A_271, %logistic3A_269 : vector<8x128xf32>
      %logistic3A_273 = arith.divf %logistic3A_271, %logistic3A_272 : vector<8x128xf32>
      %slice3A_274 = vector.extract_strided_slice %add3A_259 {offsets = [0, 256], sizes = [8, 128], strides = [1, 1]} : vector<8x512xf32> to vector<8x128xf32>
      %tanh3A_275 = math.tanh %slice3A_274 : vector<8x128xf32>
      %slice3A_276 = vector.extract_strided_slice %add3A_259 {offsets = [0, 384], sizes = [8, 128], strides = [1, 1]} : vector<8x512xf32> to vector<8x128xf32>
      %logistic3A_277 = arith.negf %slice3A_276 : vector<8x128xf32>
      %logistic3A_278 = math.exp %logistic3A_277 : vector<8x128xf32>
      %logistic3A_279 = arith.constant 1.000000e+00 : f32
      %logistic3A_280 = vector.broadcast %logistic3A_279 : f32 to vector<8x128xf32>
      %logistic3A_281 = arith.addf %logistic3A_280, %logistic3A_278 : vector<8x128xf32>
      %logistic3A_282 = arith.divf %logistic3A_280, %logistic3A_281 : vector<8x128xf32>
      %mul3A_283 = arith.mulf %logistic3A_273, %add3A_227 : vector<8x128xf32>
      %mul3A_284 = arith.mulf %logistic3A_266, %tanh3A_275 : vector<8x128xf32>
      %add3A_285 = arith.addf %mul3A_283, %mul3A_284 : vector<8x128xf32>
      %tanh3A_286 = math.tanh %add3A_285 : vector<8x128xf32>
      %mul3A_287 = arith.mulf %logistic3A_282, %tanh3A_286 : vector<8x128xf32>
      %broadcast_in_dim3A_288 = vector.shape_cast %mul3A_287 : vector<8x128xf32> to vector<8x1x128xf32>
      %swap3A_289 = arith.constant 0 : index
      %swap3A_290 = arith.index_cast %add3A_243 : i32 to index
      %swap3A_291 = arith.constant 0 : index
      %swap3A_292 = vector.load %arg5[%swap3A_289, %swap3A_290, %swap3A_291] : memref<8x512x128xf32, #tpu.memory_space<vmem>>, vector<8x1x128xf32>
      tpu.vector_store %arg5[%swap3A_289, %swap3A_290, %swap3A_291], %broadcast_in_dim3A_288 {strides = array<i32>} : memref<8x512x128xf32, #tpu.memory_space<vmem>>, vector<8x1x128xf32>,
      %broadcast_in_dim3A_293 = vector.shape_cast %mul3A_287 : vector<8x128xf32> to vector<8x1x128xf32>
      %swap3A_294 = arith.constant 0 : index
      %swap3A_295 = arith.index_cast %sub3A_245 : i32 to index
      %swap3A_296 = arith.constant 0 : index
      %swap3A_297 = vector.load %arg6[%swap3A_294, %swap3A_295, %swap3A_296] : memref<8x512x128xf32, #tpu.memory_space<vmem>>, vector<8x1x128xf32>
      tpu.vector_store %arg6[%swap3A_294, %swap3A_295, %swap3A_296], %broadcast_in_dim3A_293 {strides = array<i32>} : memref<8x512x128xf32, #tpu.memory_space<vmem>>, vector<8x1x128xf32>,
      %mul3A_298 = arith.constant 8 : i32
      %mul3A_299 = arith.muli %scan3A_13, %mul3A_298 : i32
      %add3A_300 = arith.constant 5 : i32
      %add3A_301 = arith.addi %mul3A_299, %add3A_300 : i32
      %sub3A_302 = arith.constant 511 : i32
      %sub3A_303 = arith.subi %sub3A_302, %add3A_301 : i32
      %mul3A_304 = arith.constant 8 : i32
      %mul3A_305 = arith.muli %add3A_301, %mul3A_304 : i32
      %get3A_306 = arith.index_cast %mul3A_305 : i32 to index
      %get3A_307 = arith.constant 0 : index
      %get3A_308 = vector.load %arg7[%get3A_306, %get3A_307] : memref<4096x512xf32, #tpu.memory_space<vmem>>, vector<8x512xf32>
      %mul3A_309 = arith.constant 8 : i32
      %mul3A_310 = arith.muli %sub3A_303, %mul3A_309 : i32
      %get3A_311 = arith.index_cast %mul3A_310 : i32 to index
      %get3A_312 = arith.constant 0 : index
      %get3A_313 = vector.load %arg8[%get3A_311, %get3A_312] : memref<4096x512xf32, #tpu.memory_space<vmem>>, vector<8x512xf32>
      %add3A_314 = arith.addf %get3A_308, %get3A_313 : vector<8x512xf32>
      %dot_general3A_315 = arith.constant dense<0.000000e+00> : vector<8x512xf32>
      %dot_general3A_316 = tpu.matmul %mul3A_287, %get3A_1, %dot_general3A_315 {dimension_numbers = #tpu.dot_dimension_numbers<[1], [0], [0], [1], [0, 0, 1, 1], [], []>, transpose_lhs_hint = false} : vector<8x128xf32>, vector<128x512xf32>, vector<8x512xf32> -> vector<8x512xf32>
      %add3A_317 = arith.addf %add3A_314, %dot_general3A_316 : vector<8x512xf32>
      %slice3A_318 = vector.extract_strided_slice %add3A_317 {offsets = [0, 0], sizes = [8, 128], strides = [1, 1]} : vector<8x512xf32> to vector<8x128xf32>
      %logistic3A_319 = arith.negf %slice3A_318 : vector<8x128xf32>
      %logistic3A_320 = math.exp %logistic3A_319 : vector<8x128xf32>
      %logistic3A_321 = arith.constant 1.000000e+00 : f32
      %logistic3A_322 = vector.broadcast %logistic3A_321 : f32 to vector<8x128xf32>
      %logistic3A_323 = arith.addf %logistic3A_322, %logistic3A_320 : vector<8x128xf32>
      %logistic3A_324 = arith.divf %logistic3A_322, %logistic3A_323 : vector<8x128xf32>
      %slice3A_325 = vector.extract_strided_slice %add3A_317 {offsets = [0, 128], sizes = [8, 128], strides = [1, 1]} : vector<8x512xf32> to vector<8x128xf32>
      %logistic3A_326 = arith.negf %slice3A_325 : vector<8x128xf32>
      %logistic3A_327 = math.exp %logistic3A_326 : vector<8x128xf32>
      %logistic3A_328 = arith.constant 1.000000e+00 : f32
      %logistic3A_329 = vector.broadcast %logistic3A_328 : f32 to vector<8x128xf32>
      %logistic3A_330 = arith.addf %logistic3A_329, %logistic3A_327 : vector<8x128xf32>
      %logistic3A_331 = arith.divf %logistic3A_329, %logistic3A_330 : vector<8x128xf32>
      %slice3A_332 = vector.extract_strided_slice %add3A_317 {offsets = [0, 256], sizes = [8, 128], strides = [1, 1]} : vector<8x512xf32> to vector<8x128xf32>
      %tanh3A_333 = math.tanh %slice3A_332 : vector<8x128xf32>
      %slice3A_334 = vector.extract_strided_slice %add3A_317 {offsets = [0, 384], sizes = [8, 128], strides = [1, 1]} : vector<8x512xf32> to vector<8x128xf32>
      %logistic3A_335 = arith.negf %slice3A_334 : vector<8x128xf32>
      %logistic3A_336 = math.exp %logistic3A_335 : vector<8x128xf32>
      %logistic3A_337 = arith.constant 1.000000e+00 : f32
      %logistic3A_338 = vector.broadcast %logistic3A_337 : f32 to vector<8x128xf32>
      %logistic3A_339 = arith.addf %logistic3A_338, %logistic3A_336 : vector<8x128xf32>
      %logistic3A_340 = arith.divf %logistic3A_338, %logistic3A_339 : vector<8x128xf32>
      %mul3A_341 = arith.mulf %logistic3A_331, %add3A_285 : vector<8x128xf32>
      %mul3A_342 = arith.mulf %logistic3A_324, %tanh3A_333 : vector<8x128xf32>
      %add3A_343 = arith.addf %mul3A_341, %mul3A_342 : vector<8x128xf32>
      %tanh3A_344 = math.tanh %add3A_343 : vector<8x128xf32>
      %mul3A_345 = arith.mulf %logistic3A_340, %tanh3A_344 : vector<8x128xf32>
      %broadcast_in_dim3A_346 = vector.shape_cast %mul3A_345 : vector<8x128xf32> to vector<8x1x128xf32>
      %swap3A_347 = arith.constant 0 : index
      %swap3A_348 = arith.index_cast %add3A_301 : i32 to index
      %swap3A_349 = arith.constant 0 : index
      %swap3A_350 = vector.load %arg5[%swap3A_347, %swap3A_348, %swap3A_349] : memref<8x512x128xf32, #tpu.memory_space<vmem>>, vector<8x1x128xf32>
      tpu.vector_store %arg5[%swap3A_347, %swap3A_348, %swap3A_349], %broadcast_in_dim3A_346 {strides = array<i32>} : memref<8x512x128xf32, #tpu.memory_space<vmem>>, vector<8x1x128xf32>,
      %broadcast_in_dim3A_351 = vector.shape_cast %mul3A_345 : vector<8x128xf32> to vector<8x1x128xf32>
      %swap3A_352 = arith.constant 0 : index
      %swap3A_353 = arith.index_cast %sub3A_303 : i32 to index
      %swap3A_354 = arith.constant 0 : index
      %swap3A_355 = vector.load %arg6[%swap3A_352, %swap3A_353, %swap3A_354] : memref<8x512x128xf32, #tpu.memory_space<vmem>>, vector<8x1x128xf32>
      tpu.vector_store %arg6[%swap3A_352, %swap3A_353, %swap3A_354], %broadcast_in_dim3A_351 {strides = array<i32>} : memref<8x512x128xf32, #tpu.memory_space<vmem>>, vector<8x1x128xf32>,
      %mul3A_356 = arith.constant 8 : i32
      %mul3A_357 = arith.muli %scan3A_13, %mul3A_356 : i32
      %add3A_358 = arith.constant 6 : i32
      %add3A_359 = arith.addi %mul3A_357, %add3A_358 : i32
      %sub3A_360 = arith.constant 511 : i32
      %sub3A_361 = arith.subi %sub3A_360, %add3A_359 : i32
      %mul3A_362 = arith.constant 8 : i32
      %mul3A_363 = arith.muli %add3A_359, %mul3A_362 : i32
      %get3A_364 = arith.index_cast %mul3A_363 : i32 to index
      %get3A_365 = arith.constant 0 : index
      %get3A_366 = vector.load %arg7[%get3A_364, %get3A_365] : memref<4096x512xf32, #tpu.memory_space<vmem>>, vector<8x512xf32>
      %mul3A_367 = arith.constant 8 : i32
      %mul3A_368 = arith.muli %sub3A_361, %mul3A_367 : i32
      %get3A_369 = arith.index_cast %mul3A_368 : i32 to index
      %get3A_370 = arith.constant 0 : index
      %get3A_371 = vector.load %arg8[%get3A_369, %get3A_370] : memref<4096x512xf32, #tpu.memory_space<vmem>>, vector<8x512xf32>
      %add3A_372 = arith.addf %get3A_366, %get3A_371 : vector<8x512xf32>
      %dot_general3A_373 = arith.constant dense<0.000000e+00> : vector<8x512xf32>
      %dot_general3A_374 = tpu.matmul %mul3A_345, %get3A_1, %dot_general3A_373 {dimension_numbers = #tpu.dot_dimension_numbers<[1], [0], [0], [1], [0, 0, 1, 1], [], []>, transpose_lhs_hint = false} : vector<8x128xf32>, vector<128x512xf32>, vector<8x512xf32> -> vector<8x512xf32>
      %add3A_375 = arith.addf %add3A_372, %dot_general3A_374 : vector<8x512xf32>
      %slice3A_376 = vector.extract_strided_slice %add3A_375 {offsets = [0, 0], sizes = [8, 128], strides = [1, 1]} : vector<8x512xf32> to vector<8x128xf32>
      %logistic3A_377 = arith.negf %slice3A_376 : vector<8x128xf32>
      %logistic3A_378 = math.exp %logistic3A_377 : vector<8x128xf32>
      %logistic3A_379 = arith.constant 1.000000e+00 : f32
      %logistic3A_380 = vector.broadcast %logistic3A_379 : f32 to vector<8x128xf32>
      %logistic3A_381 = arith.addf %logistic3A_380, %logistic3A_378 : vector<8x128xf32>
      %logistic3A_382 = arith.divf %logistic3A_380, %logistic3A_381 : vector<8x128xf32>
      %slice3A_383 = vector.extract_strided_slice %add3A_375 {offsets = [0, 128], sizes = [8, 128], strides = [1, 1]} : vector<8x512xf32> to vector<8x128xf32>
      %logistic3A_384 = arith.negf %slice3A_383 : vector<8x128xf32>
      %logistic3A_385 = math.exp %logistic3A_384 : vector<8x128xf32>
      %logistic3A_386 = arith.constant 1.000000e+00 : f32
      %logistic3A_387 = vector.broadcast %logistic3A_386 : f32 to vector<8x128xf32>
      %logistic3A_388 = arith.addf %logistic3A_387, %logistic3A_385 : vector<8x128xf32>
      %logistic3A_389 = arith.divf %logistic3A_387, %logistic3A_388 : vector<8x128xf32>
      %slice3A_390 = vector.extract_strided_slice %add3A_375 {offsets = [0, 256], sizes = [8, 128], strides = [1, 1]} : vector<8x512xf32> to vector<8x128xf32>
      %tanh3A_391 = math.tanh %slice3A_390 : vector<8x128xf32>
      %slice3A_392 = vector.extract_strided_slice %add3A_375 {offsets = [0, 384], sizes = [8, 128], strides = [1, 1]} : vector<8x512xf32> to vector<8x128xf32>
      %logistic3A_393 = arith.negf %slice3A_392 : vector<8x128xf32>
      %logistic3A_394 = math.exp %logistic3A_393 : vector<8x128xf32>
      %logistic3A_395 = arith.constant 1.000000e+00 : f32
      %logistic3A_396 = vector.broadcast %logistic3A_395 : f32 to vector<8x128xf32>
      %logistic3A_397 = arith.addf %logistic3A_396, %logistic3A_394 : vector<8x128xf32>
      %logistic3A_398 = arith.divf %logistic3A_396, %logistic3A_397 : vector<8x128xf32>
      %mul3A_399 = arith.mulf %logistic3A_389, %add3A_343 : vector<8x128xf32>
      %mul3A_400 = arith.mulf %logistic3A_382, %tanh3A_391 : vector<8x128xf32>
      %add3A_401 = arith.addf %mul3A_399, %mul3A_400 : vector<8x128xf32>
      %tanh3A_402 = math.tanh %add3A_401 : vector<8x128xf32>
      %mul3A_403 = arith.mulf %logistic3A_398, %tanh3A_402 : vector<8x128xf32>
      %broadcast_in_dim3A_404 = vector.shape_cast %mul3A_403 : vector<8x128xf32> to vector<8x1x128xf32>
      %swap3A_405 = arith.constant 0 : index
      %swap3A_406 = arith.index_cast %add3A_359 : i32 to index
      %swap3A_407 = arith.constant 0 : index
      %swap3A_408 = vector.load %arg5[%swap3A_405, %swap3A_406, %swap3A_407] : memref<8x512x128xf32, #tpu.memory_space<vmem>>, vector<8x1x128xf32>
      tpu.vector_store %arg5[%swap3A_405, %swap3A_406, %swap3A_407], %broadcast_in_dim3A_404 {strides = array<i32>} : memref<8x512x128xf32, #tpu.memory_space<vmem>>, vector<8x1x128xf32>,
      %broadcast_in_dim3A_409 = vector.shape_cast %mul3A_403 : vector<8x128xf32> to vector<8x1x128xf32>
      %swap3A_410 = arith.constant 0 : index
      %swap3A_411 = arith.index_cast %sub3A_361 : i32 to index
      %swap3A_412 = arith.constant 0 : index
      %swap3A_413 = vector.load %arg6[%swap3A_410, %swap3A_411, %swap3A_412] : memref<8x512x128xf32, #tpu.memory_space<vmem>>, vector<8x1x128xf32>
      tpu.vector_store %arg6[%swap3A_410, %swap3A_411, %swap3A_412], %broadcast_in_dim3A_409 {strides = array<i32>} : memref<8x512x128xf32, #tpu.memory_space<vmem>>, vector<8x1x128xf32>,
      %mul3A_414 = arith.constant 8 : i32
      %mul3A_415 = arith.muli %scan3A_13, %mul3A_414 : i32
      %add3A_416 = arith.constant 7 : i32
      %add3A_417 = arith.addi %mul3A_415, %add3A_416 : i32
      %sub3A_418 = arith.constant 511 : i32
      %sub3A_419 = arith.subi %sub3A_418, %add3A_417 : i32
      %mul3A_420 = arith.constant 8 : i32
      %mul3A_421 = arith.muli %add3A_417, %mul3A_420 : i32
      %get3A_422 = arith.index_cast %mul3A_421 : i32 to index
      %get3A_423 = arith.constant 0 : index
      %get3A_424 = vector.load %arg7[%get3A_422, %get3A_423] : memref<4096x512xf32, #tpu.memory_space<vmem>>, vector<8x512xf32>
      %mul3A_425 = arith.constant 8 : i32
      %mul3A_426 = arith.muli %sub3A_419, %mul3A_425 : i32
      %get3A_427 = arith.index_cast %mul3A_426 : i32 to index
      %get3A_428 = arith.constant 0 : index
      %get3A_429 = vector.load %arg8[%get3A_427, %get3A_428] : memref<4096x512xf32, #tpu.memory_space<vmem>>, vector<8x512xf32>
      %add3A_430 = arith.addf %get3A_424, %get3A_429 : vector<8x512xf32>
      %dot_general3A_431 = arith.constant dense<0.000000e+00> : vector<8x512xf32>
      %dot_general3A_432 = tpu.matmul %mul3A_403, %get3A_1, %dot_general3A_431 {dimension_numbers = #tpu.dot_dimension_numbers<[1], [0], [0], [1], [0, 0, 1, 1], [], []>, transpose_lhs_hint = false} : vector<8x128xf32>, vector<128x512xf32>, vector<8x512xf32> -> vector<8x512xf32>
      %add3A_433 = arith.addf %add3A_430, %dot_general3A_432 : vector<8x512xf32>
      %slice3A_434 = vector.extract_strided_slice %add3A_433 {offsets = [0, 0], sizes = [8, 128], strides = [1, 1]} : vector<8x512xf32> to vector<8x128xf32>
      %logistic3A_435 = arith.negf %slice3A_434 : vector<8x128xf32>
      %logistic3A_436 = math.exp %logistic3A_435 : vector<8x128xf32>
      %logistic3A_437 = arith.constant 1.000000e+00 : f32
      %logistic3A_438 = vector.broadcast %logistic3A_437 : f32 to vector<8x128xf32>
      %logistic3A_439 = arith.addf %logistic3A_438, %logistic3A_436 : vector<8x128xf32>
      %logistic3A_440 = arith.divf %logistic3A_438, %logistic3A_439 : vector<8x128xf32>
      %slice3A_441 = vector.extract_strided_slice %add3A_433 {offsets = [0, 128], sizes = [8, 128], strides = [1, 1]} : vector<8x512xf32> to vector<8x128xf32>
      %logistic3A_442 = arith.negf %slice3A_441 : vector<8x128xf32>
      %logistic3A_443 = math.exp %logistic3A_442 : vector<8x128xf32>
      %logistic3A_444 = arith.constant 1.000000e+00 : f32
      %logistic3A_445 = vector.broadcast %logistic3A_444 : f32 to vector<8x128xf32>
      %logistic3A_446 = arith.addf %logistic3A_445, %logistic3A_443 : vector<8x128xf32>
      %logistic3A_447 = arith.divf %logistic3A_445, %logistic3A_446 : vector<8x128xf32>
      %slice3A_448 = vector.extract_strided_slice %add3A_433 {offsets = [0, 256], sizes = [8, 128], strides = [1, 1]} : vector<8x512xf32> to vector<8x128xf32>
      %tanh3A_449 = math.tanh %slice3A_448 : vector<8x128xf32>
      %slice3A_450 = vector.extract_strided_slice %add3A_433 {offsets = [0, 384], sizes = [8, 128], strides = [1, 1]} : vector<8x512xf32> to vector<8x128xf32>
      %logistic3A_451 = arith.negf %slice3A_450 : vector<8x128xf32>
      %logistic3A_452 = math.exp %logistic3A_451 : vector<8x128xf32>
      %logistic3A_453 = arith.constant 1.000000e+00 : f32
      %logistic3A_454 = vector.broadcast %logistic3A_453 : f32 to vector<8x128xf32>
      %logistic3A_455 = arith.addf %logistic3A_454, %logistic3A_452 : vector<8x128xf32>
      %logistic3A_456 = arith.divf %logistic3A_454, %logistic3A_455 : vector<8x128xf32>
      %mul3A_457 = arith.mulf %logistic3A_447, %add3A_401 : vector<8x128xf32>
      %mul3A_458 = arith.mulf %logistic3A_440, %tanh3A_449 : vector<8x128xf32>
      %add3A_459 = arith.addf %mul3A_457, %mul3A_458 : vector<8x128xf32>
      %tanh3A_460 = math.tanh %add3A_459 : vector<8x128xf32>
      %mul3A_461 = arith.mulf %logistic3A_456, %tanh3A_460 : vector<8x128xf32>
      %broadcast_in_dim3A_462 = vector.shape_cast %mul3A_461 : vector<8x128xf32> to vector<8x1x128xf32>
      %swap3A_463 = arith.constant 0 : index
      %swap3A_464 = arith.index_cast %add3A_417 : i32 to index
      %swap3A_465 = arith.constant 0 : index
      %swap3A_466 = vector.load %arg5[%swap3A_463, %swap3A_464, %swap3A_465] : memref<8x512x128xf32, #tpu.memory_space<vmem>>, vector<8x1x128xf32>
      tpu.vector_store %arg5[%swap3A_463, %swap3A_464, %swap3A_465], %broadcast_in_dim3A_462 {strides = array<i32>} : memref<8x512x128xf32, #tpu.memory_space<vmem>>, vector<8x1x128xf32>,
      %broadcast_in_dim3A_467 = vector.shape_cast %mul3A_461 : vector<8x128xf32> to vector<8x1x128xf32>
      %swap3A_468 = arith.constant 0 : index
      %swap3A_469 = arith.index_cast %sub3A_419 : i32 to index
      %swap3A_470 = arith.constant 0 : index
      %swap3A_471 = vector.load %arg6[%swap3A_468, %swap3A_469, %swap3A_470] : memref<8x512x128xf32, #tpu.memory_space<vmem>>, vector<8x1x128xf32>
      tpu.vector_store %arg6[%swap3A_468, %swap3A_469, %swap3A_470], %broadcast_in_dim3A_467 {strides = array<i32>} : memref<8x512x128xf32, #tpu.memory_space<vmem>>, vector<8x1x128xf32>,
      scf.yield %mul3A_461, %add3A_459 : vector<8x128xf32>, vector<8x128xf32>
    }
    %scan3A_12 = arith.constant 64 : i32
    return
  }
}

module attributes {stable_mosaic.version = 14 : i64} {
  func.func @_graph_body(%arg0: i32, %arg1: memref<8xi32, #tpu.memory_space<smem>>, %arg2: memref<1x512x128xf32, #tpu.memory_space<vmem>>, %arg3: memref<1x512x128xf32, #tpu.memory_space<vmem>>, %arg4: memref<1x512x128xf32, #tpu.memory_space<vmem>>, %arg5: memref<128x128xf32, #tpu.memory_space<vmem>>, %arg6: memref<128x128xf32, #tpu.memory_space<vmem>>, %arg7: memref<1x128xf32, #tpu.memory_space<vmem>>, %arg8: memref<128x128xf32, #tpu.memory_space<vmem>>, %arg9: memref<1x128xf32, #tpu.memory_space<vmem>>, %arg10: memref<1x128xf32, #tpu.memory_space<vmem>>, %arg11: memref<1x1x128xf32, #tpu.memory_space<vmem>>, %arg12: memref<512x512xf32, #tpu.memory_space<vmem>>) attributes {dimension_semantics = [#tpu.dimension_semantics<arbitrary>], iteration_bounds = array<i64: 8>, scalar_prefetch = 0 : i64, scratch_operands = 1 : i64, tpu.core_type = #tpu.core_type<tc>, window_params = [{transform_indices = @transform_0, window_bounds = array<i64: 8>}, {transform_indices = @transform_1, window_bounds = array<i64: 1, 512, 128>}, {transform_indices = @transform_2, window_bounds = array<i64: 1, 512, 128>}, {transform_indices = @transform_3, window_bounds = array<i64: 1, 512, 128>}, {pipeline_mode = #tpu.pipeline_mode<synchronous>, transform_indices = @transform_4, window_bounds = array<i64: 128, 128>}, {pipeline_mode = #tpu.pipeline_mode<synchronous>, transform_indices = @transform_5, window_bounds = array<i64: 128, 128>}, {pipeline_mode = #tpu.pipeline_mode<synchronous>, transform_indices = @transform_6, window_bounds = array<i64: 1, 128>}, {pipeline_mode = #tpu.pipeline_mode<synchronous>, transform_indices = @transform_7, window_bounds = array<i64: 128, 128>}, {pipeline_mode = #tpu.pipeline_mode<synchronous>, transform_indices = @transform_8, window_bounds = array<i64: 1, 128>}, {pipeline_mode = #tpu.pipeline_mode<synchronous>, transform_indices = @transform_9, window_bounds = array<i64: 1, 128>}, {transform_indices = @transform_10, window_bounds = array<i64: 1, 1, 128>}]} {
    %get3A = arith.index_cast %arg0 : i32 to index
    %get3A_0 = memref.load %arg1[%get3A] : memref<8xi32, #tpu.memory_space<smem>>
    %get3A_1 = arith.constant 0 : index
    %get3A_2 = arith.constant 0 : index
    %get3A_3 = arith.constant 0 : index
    %get3A_4 = vector.load %arg2[%get3A_1, %get3A_2, %get3A_3] : memref<1x512x128xf32, #tpu.memory_space<vmem>>, vector<1x512x128xf32>
    %get3A_5 = vector.shape_cast %get3A_4 : vector<1x512x128xf32> to vector<512x128xf32>
    %get3A_6 = arith.constant 0 : index
    %get3A_7 = arith.constant 0 : index
    %get3A_8 = arith.constant 0 : index
    %get3A_9 = vector.load %arg3[%get3A_6, %get3A_7, %get3A_8] : memref<1x512x128xf32, #tpu.memory_space<vmem>>, vector<1x512x128xf32>
    %get3A_10 = vector.shape_cast %get3A_9 : vector<1x512x128xf32> to vector<512x128xf32>
    %get3A_11 = arith.constant 0 : index
    %get3A_12 = arith.constant 0 : index
    %get3A_13 = arith.constant 0 : index
    %get3A_14 = vector.load %arg4[%get3A_11, %get3A_12, %get3A_13] : memref<1x512x128xf32, #tpu.memory_space<vmem>>, vector<1x512x128xf32>
    %get3A_15 = vector.shape_cast %get3A_14 : vector<1x512x128xf32> to vector<512x128xf32>
    %iota3A = tpu.iota {dimensions = array<i32: 0>} : vector<512x1xi32>
    %iota3A_16 = tpu.iota {dimensions = array<i32: 1>} : vector<1x512xi32>
    %lt3A = vector.broadcast %get3A_0 : i32 to vector<512x1xi32>
    %lt3A_17 = arith.cmpi slt, %iota3A, %lt3A : vector<512x1xi32>
    %convert_element_type3A = arith.extui %lt3A_17 : vector<512x1xi1> to vector<512x1xi32>
    %convert_element_type3A_18 = arith.sitofp %convert_element_type3A : vector<512x1xi32> to vector<512x1xf32>
    %lt3A_19 = vector.broadcast %get3A_0 : i32 to vector<1x512xi32>
    %lt3A_20 = arith.cmpi slt, %iota3A_16, %lt3A_19 : vector<1x512xi32>
    %convert_element_type3A_21 = arith.extui %lt3A_20 : vector<1x512xi1> to vector<1x512xi32>
    %convert_element_type3A_22 = arith.sitofp %convert_element_type3A_21 : vector<1x512xi32> to vector<1x512xf32>
    %dot_general3A = arith.constant dense<0.000000e+00> : vector<512x512xf32>
    %dot_general3A_23 = tpu.matmul %get3A_5, %get3A_5, %dot_general3A {dimension_numbers = #tpu.dot_dimension_numbers<[1], [1], [0], [0], [0, 0, 1, 0], [], []>, transpose_lhs_hint = false} : vector<512x128xf32>, vector<512x128xf32>, vector<512x512xf32> -> vector<512x512xf32>
    %mul3A = vector.broadcast %convert_element_type3A_18 : vector<512x1xf32> to vector<512x512xf32>
    %mul3A_24 = arith.mulf %dot_general3A_23, %mul3A : vector<512x512xf32>
    %mul3A_25 = vector.broadcast %convert_element_type3A_22 : vector<1x512xf32> to vector<512x512xf32>
    %mul3A_26 = arith.mulf %mul3A_24, %mul3A_25 : vector<512x512xf32>
    %swap3A = arith.constant 0 : index
    %swap3A_27 = arith.constant 0 : index
    %swap3A_28 = vector.load %arg12[%swap3A, %swap3A_27] : memref<512x512xf32, #tpu.memory_space<vmem>>, vector<512x512xf32>
    tpu.vector_store %arg12[%swap3A, %swap3A_27], %mul3A_26 {strides = array<i32>} : memref<512x512xf32, #tpu.memory_space<vmem>>, vector<512x512xf32>,
    %iota3A_29 = tpu.iota {dimensions = array<i32: 0>} : vector<512x512xi32>
    %get3A_30 = arith.constant 0 : index
    %get3A_31 = arith.constant 0 : index
    %get3A_32 = vector.load %arg12[%get3A_30, %get3A_31] : memref<512x512xf32, #tpu.memory_space<vmem>>, vector<512x512xf32>
    %reduce_max3A = arith.constant dense<0xFF800000> : vector<512xf32>
    %reduce_max3A_33 = vector.multi_reduction <maximumf>, %get3A_32, %reduce_max3A [0] : vector<512x512xf32> to vector<512xf32>
    %broadcast_in_dim3A = vector.shape_cast %reduce_max3A_33 : vector<512xf32> to vector<1x512xf32>
    %eq3A = vector.broadcast %broadcast_in_dim3A : vector<1x512xf32> to vector<512x512xf32>
    %eq3A_34 = arith.cmpf oeq, %get3A_32, %eq3A : vector<512x512xf32>
    %jit3A = arith.constant 512 : i32
    %broadcast_in_dim3A_35 = vector.broadcast %jit3A : i32 to vector<512x512xi32>
    %select_n3A = arith.select %eq3A_34, %iota3A_29, %broadcast_in_dim3A_35 : vector<512x512xi1>, vector<512x512xi32>
    %reduce_min3A = arith.constant dense<2147483647> : vector<512xi32>
    %reduce_min3A_36 = vector.multi_reduction <minsi>, %select_n3A, %reduce_min3A [0] : vector<512x512xi32> to vector<512xi32>
    %broadcast_in_dim3A_37 = vector.shape_cast %reduce_min3A_36 : vector<512xi32> to vector<1x512xi32>
    %eq3A_38 = vector.broadcast %broadcast_in_dim3A_37 : vector<1x512xi32> to vector<512x512xi32>
    %eq3A_39 = arith.cmpi eq, %iota3A_29, %eq3A_38 : vector<512x512xi32>
    %jit3A_40 = arith.constant -3.000000e+38 : f32
    %broadcast_in_dim3A_41 = vector.broadcast %jit3A_40 : f32 to vector<512x512xf32>
    %select_n3A_42 = arith.select %eq3A_39, %broadcast_in_dim3A_41, %get3A_32 : vector<512x512xi1>, vector<512x512xf32>
    %swap3A_43 = arith.constant 0 : index
    %swap3A_44 = arith.constant 0 : index
    %swap3A_45 = vector.load %arg12[%swap3A_43, %swap3A_44] : memref<512x512xf32, #tpu.memory_space<vmem>>, vector<512x512xf32>
    tpu.vector_store %arg12[%swap3A_43, %swap3A_44], %select_n3A_42 {strides = array<i32>} : memref<512x512xf32, #tpu.memory_space<vmem>>, vector<512x512xf32>,
    %get3A_46 = arith.constant 0 : index
    %get3A_47 = arith.constant 0 : index
    %get3A_48 = vector.load %arg12[%get3A_46, %get3A_47] : memref<512x512xf32, #tpu.memory_space<vmem>>, vector<512x512xf32>
    %reduce_max3A_49 = arith.constant dense<0xFF800000> : vector<512xf32>
    %reduce_max3A_50 = vector.multi_reduction <maximumf>, %get3A_48, %reduce_max3A_49 [0] : vector<512x512xf32> to vector<512xf32>
    %broadcast_in_dim3A_51 = vector.shape_cast %reduce_max3A_50 : vector<512xf32> to vector<1x512xf32>
    %eq3A_52 = vector.broadcast %broadcast_in_dim3A_51 : vector<1x512xf32> to vector<512x512xf32>
    %eq3A_53 = arith.cmpf oeq, %get3A_48, %eq3A_52 : vector<512x512xf32>
    %jit3A_54 = arith.constant 512 : i32
    %broadcast_in_dim3A_55 = vector.broadcast %jit3A_54 : i32 to vector<512x512xi32>
    %select_n3A_56 = arith.select %eq3A_53, %iota3A_29, %broadcast_in_dim3A_55 : vector<512x512xi1>, vector<512x512xi32>
    %reduce_min3A_57 = arith.constant dense<2147483647> : vector<512xi32>
    %reduce_min3A_58 = vector.multi_reduction <minsi>, %select_n3A_56, %reduce_min3A_57 [0] : vector<512x512xi32> to vector<512xi32>
    %broadcast_in_dim3A_59 = vector.shape_cast %reduce_min3A_58 : vector<512xi32> to vector<1x512xi32>
    %eq3A_60 = vector.broadcast %broadcast_in_dim3A_59 : vector<1x512xi32> to vector<512x512xi32>
    %eq3A_61 = arith.cmpi eq, %iota3A_29, %eq3A_60 : vector<512x512xi32>
    %jit3A_62 = arith.constant -3.000000e+38 : f32
    %broadcast_in_dim3A_63 = vector.broadcast %jit3A_62 : f32 to vector<512x512xf32>
    %select_n3A_64 = arith.select %eq3A_61, %broadcast_in_dim3A_63, %get3A_48 : vector<512x512xi1>, vector<512x512xf32>
    %swap3A_65 = arith.constant 0 : index
    %swap3A_66 = arith.constant 0 : index
    %swap3A_67 = vector.load %arg12[%swap3A_65, %swap3A_66] : memref<512x512xf32, #tpu.memory_space<vmem>>, vector<512x512xf32>
    tpu.vector_store %arg12[%swap3A_65, %swap3A_66], %select_n3A_64 {strides = array<i32>} : memref<512x512xf32, #tpu.memory_space<vmem>>, vector<512x512xf32>,
    %get3A_68 = arith.constant 0 : index
    %get3A_69 = arith.constant 0 : index
    %get3A_70 = vector.load %arg12[%get3A_68, %get3A_69] : memref<512x512xf32, #tpu.memory_space<vmem>>, vector<512x512xf32>
    %reduce_max3A_71 = arith.constant dense<0xFF800000> : vector<512xf32>
    %reduce_max3A_72 = vector.multi_reduction <maximumf>, %get3A_70, %reduce_max3A_71 [0] : vector<512x512xf32> to vector<512xf32>
    %broadcast_in_dim3A_73 = vector.shape_cast %reduce_max3A_72 : vector<512xf32> to vector<1x512xf32>
    %eq3A_74 = vector.broadcast %broadcast_in_dim3A_73 : vector<1x512xf32> to vector<512x512xf32>
    %eq3A_75 = arith.cmpf oeq, %get3A_70, %eq3A_74 : vector<512x512xf32>
    %jit3A_76 = arith.constant 512 : i32
    %broadcast_in_dim3A_77 = vector.broadcast %jit3A_76 : i32 to vector<512x512xi32>
    %select_n3A_78 = arith.select %eq3A_75, %iota3A_29, %broadcast_in_dim3A_77 : vector<512x512xi1>, vector<512x512xi32>
    %reduce_min3A_79 = arith.constant dense<2147483647> : vector<512xi32>
    %reduce_min3A_80 = vector.multi_reduction <minsi>, %select_n3A_78, %reduce_min3A_79 [0] : vector<512x512xi32> to vector<512xi32>
    %broadcast_in_dim3A_81 = vector.shape_cast %reduce_min3A_80 : vector<512xi32> to vector<1x512xi32>
    %eq3A_82 = vector.broadcast %broadcast_in_dim3A_81 : vector<1x512xi32> to vector<512x512xi32>
    %eq3A_83 = arith.cmpi eq, %iota3A_29, %eq3A_82 : vector<512x512xi32>
    %jit3A_84 = arith.constant -3.000000e+38 : f32
    %broadcast_in_dim3A_85 = vector.broadcast %jit3A_84 : f32 to vector<512x512xf32>
    %select_n3A_86 = arith.select %eq3A_83, %broadcast_in_dim3A_85, %get3A_70 : vector<512x512xi1>, vector<512x512xf32>
    %swap3A_87 = arith.constant 0 : index
    %swap3A_88 = arith.constant 0 : index
    %swap3A_89 = vector.load %arg12[%swap3A_87, %swap3A_88] : memref<512x512xf32, #tpu.memory_space<vmem>>, vector<512x512xf32>
    tpu.vector_store %arg12[%swap3A_87, %swap3A_88], %select_n3A_86 {strides = array<i32>} : memref<512x512xf32, #tpu.memory_space<vmem>>, vector<512x512xf32>,
    %get3A_90 = arith.constant 0 : index
    %get3A_91 = arith.constant 0 : index
    %get3A_92 = vector.load %arg12[%get3A_90, %get3A_91] : memref<512x512xf32, #tpu.memory_space<vmem>>, vector<512x512xf32>
    %reduce_max3A_93 = arith.constant dense<0xFF800000> : vector<512xf32>
    %reduce_max3A_94 = vector.multi_reduction <maximumf>, %get3A_92, %reduce_max3A_93 [0] : vector<512x512xf32> to vector<512xf32>
    %broadcast_in_dim3A_95 = vector.shape_cast %reduce_max3A_94 : vector<512xf32> to vector<1x512xf32>
    %eq3A_96 = vector.broadcast %broadcast_in_dim3A_95 : vector<1x512xf32> to vector<512x512xf32>
    %eq3A_97 = arith.cmpf oeq, %get3A_92, %eq3A_96 : vector<512x512xf32>
    %jit3A_98 = arith.constant 512 : i32
    %broadcast_in_dim3A_99 = vector.broadcast %jit3A_98 : i32 to vector<512x512xi32>
    %select_n3A_100 = arith.select %eq3A_97, %iota3A_29, %broadcast_in_dim3A_99 : vector<512x512xi1>, vector<512x512xi32>
    %reduce_min3A_101 = arith.constant dense<2147483647> : vector<512xi32>
    %reduce_min3A_102 = vector.multi_reduction <minsi>, %select_n3A_100, %reduce_min3A_101 [0] : vector<512x512xi32> to vector<512xi32>
    %broadcast_in_dim3A_103 = vector.shape_cast %reduce_min3A_102 : vector<512xi32> to vector<1x512xi32>
    %eq3A_104 = vector.broadcast %broadcast_in_dim3A_103 : vector<1x512xi32> to vector<512x512xi32>
    %eq3A_105 = arith.cmpi eq, %iota3A_29, %eq3A_104 : vector<512x512xi32>
    %jit3A_106 = arith.constant -3.000000e+38 : f32
    %broadcast_in_dim3A_107 = vector.broadcast %jit3A_106 : f32 to vector<512x512xf32>
    %select_n3A_108 = arith.select %eq3A_105, %broadcast_in_dim3A_107, %get3A_92 : vector<512x512xi1>, vector<512x512xf32>
    %swap3A_109 = arith.constant 0 : index
    %swap3A_110 = arith.constant 0 : index
    %swap3A_111 = vector.load %arg12[%swap3A_109, %swap3A_110] : memref<512x512xf32, #tpu.memory_space<vmem>>, vector<512x512xf32>
    tpu.vector_store %arg12[%swap3A_109, %swap3A_110], %select_n3A_108 {strides = array<i32>} : memref<512x512xf32, #tpu.memory_space<vmem>>, vector<512x512xf32>,
    %get3A_112 = arith.constant 0 : index
    %get3A_113 = arith.constant 0 : index
    %get3A_114 = vector.load %arg12[%get3A_112, %get3A_113] : memref<512x512xf32, #tpu.memory_space<vmem>>, vector<512x512xf32>
    %reduce_max3A_115 = arith.constant dense<0xFF800000> : vector<512xf32>
    %reduce_max3A_116 = vector.multi_reduction <maximumf>, %get3A_114, %reduce_max3A_115 [0] : vector<512x512xf32> to vector<512xf32>
    %broadcast_in_dim3A_117 = vector.shape_cast %reduce_max3A_116 : vector<512xf32> to vector<1x512xf32>
    %eq3A_118 = vector.broadcast %broadcast_in_dim3A_117 : vector<1x512xf32> to vector<512x512xf32>
    %eq3A_119 = arith.cmpf oeq, %get3A_114, %eq3A_118 : vector<512x512xf32>
    %jit3A_120 = arith.constant 512 : i32
    %broadcast_in_dim3A_121 = vector.broadcast %jit3A_120 : i32 to vector<512x512xi32>
    %select_n3A_122 = arith.select %eq3A_119, %iota3A_29, %broadcast_in_dim3A_121 : vector<512x512xi1>, vector<512x512xi32>
    %reduce_min3A_123 = arith.constant dense<2147483647> : vector<512xi32>
    %reduce_min3A_124 = vector.multi_reduction <minsi>, %select_n3A_122, %reduce_min3A_123 [0] : vector<512x512xi32> to vector<512xi32>
    %broadcast_in_dim3A_125 = vector.shape_cast %reduce_min3A_124 : vector<512xi32> to vector<1x512xi32>
    %eq3A_126 = vector.broadcast %broadcast_in_dim3A_125 : vector<1x512xi32> to vector<512x512xi32>
    %eq3A_127 = arith.cmpi eq, %iota3A_29, %eq3A_126 : vector<512x512xi32>
    %jit3A_128 = arith.constant -3.000000e+38 : f32
    %broadcast_in_dim3A_129 = vector.broadcast %jit3A_128 : f32 to vector<512x512xf32>
    %select_n3A_130 = arith.select %eq3A_127, %broadcast_in_dim3A_129, %get3A_114 : vector<512x512xi1>, vector<512x512xf32>
    %swap3A_131 = arith.constant 0 : index
    %swap3A_132 = arith.constant 0 : index
    %swap3A_133 = vector.load %arg12[%swap3A_131, %swap3A_132] : memref<512x512xf32, #tpu.memory_space<vmem>>, vector<512x512xf32>
    tpu.vector_store %arg12[%swap3A_131, %swap3A_132], %select_n3A_130 {strides = array<i32>} : memref<512x512xf32, #tpu.memory_space<vmem>>, vector<512x512xf32>,
    %get3A_134 = arith.constant 0 : index
    %get3A_135 = arith.constant 0 : index
    %get3A_136 = vector.load %arg12[%get3A_134, %get3A_135] : memref<512x512xf32, #tpu.memory_space<vmem>>, vector<512x512xf32>
    %reduce_max3A_137 = arith.constant dense<0xFF800000> : vector<512xf32>
    %reduce_max3A_138 = vector.multi_reduction <maximumf>, %get3A_136, %reduce_max3A_137 [0] : vector<512x512xf32> to vector<512xf32>
    %broadcast_in_dim3A_139 = vector.shape_cast %reduce_max3A_138 : vector<512xf32> to vector<1x512xf32>
    %eq3A_140 = vector.broadcast %broadcast_in_dim3A_139 : vector<1x512xf32> to vector<512x512xf32>
    %eq3A_141 = arith.cmpf oeq, %get3A_136, %eq3A_140 : vector<512x512xf32>
    %jit3A_142 = arith.constant 512 : i32
    %broadcast_in_dim3A_143 = vector.broadcast %jit3A_142 : i32 to vector<512x512xi32>
    %select_n3A_144 = arith.select %eq3A_141, %iota3A_29, %broadcast_in_dim3A_143 : vector<512x512xi1>, vector<512x512xi32>
    %reduce_min3A_145 = arith.constant dense<2147483647> : vector<512xi32>
    %reduce_min3A_146 = vector.multi_reduction <minsi>, %select_n3A_144, %reduce_min3A_145 [0] : vector<512x512xi32> to vector<512xi32>
    %broadcast_in_dim3A_147 = vector.shape_cast %reduce_min3A_146 : vector<512xi32> to vector<1x512xi32>
    %eq3A_148 = vector.broadcast %broadcast_in_dim3A_147 : vector<1x512xi32> to vector<512x512xi32>
    %eq3A_149 = arith.cmpi eq, %iota3A_29, %eq3A_148 : vector<512x512xi32>
    %jit3A_150 = arith.constant -3.000000e+38 : f32
    %broadcast_in_dim3A_151 = vector.broadcast %jit3A_150 : f32 to vector<512x512xf32>
    %select_n3A_152 = arith.select %eq3A_149, %broadcast_in_dim3A_151, %get3A_136 : vector<512x512xi1>, vector<512x512xf32>
    %swap3A_153 = arith.constant 0 : index
    %swap3A_154 = arith.constant 0 : index
    %swap3A_155 = vector.load %arg12[%swap3A_153, %swap3A_154] : memref<512x512xf32, #tpu.memory_space<vmem>>, vector<512x512xf32>
    tpu.vector_store %arg12[%swap3A_153, %swap3A_154], %select_n3A_152 {strides = array<i32>} : memref<512x512xf32, #tpu.memory_space<vmem>>, vector<512x512xf32>,
    %get3A_156 = arith.constant 0 : index
    %get3A_157 = arith.constant 0 : index
    %get3A_158 = vector.load %arg12[%get3A_156, %get3A_157] : memref<512x512xf32, #tpu.memory_space<vmem>>, vector<512x512xf32>
    %reduce_max3A_159 = arith.constant dense<0xFF800000> : vector<512xf32>
    %reduce_max3A_160 = vector.multi_reduction <maximumf>, %get3A_158, %reduce_max3A_159 [0] : vector<512x512xf32> to vector<512xf32>
    %broadcast_in_dim3A_161 = vector.shape_cast %reduce_max3A_160 : vector<512xf32> to vector<1x512xf32>
    %eq3A_162 = vector.broadcast %broadcast_in_dim3A_161 : vector<1x512xf32> to vector<512x512xf32>
    %eq3A_163 = arith.cmpf oeq, %get3A_158, %eq3A_162 : vector<512x512xf32>
    %jit3A_164 = arith.constant 512 : i32
    %broadcast_in_dim3A_165 = vector.broadcast %jit3A_164 : i32 to vector<512x512xi32>
    %select_n3A_166 = arith.select %eq3A_163, %iota3A_29, %broadcast_in_dim3A_165 : vector<512x512xi1>, vector<512x512xi32>
    %reduce_min3A_167 = arith.constant dense<2147483647> : vector<512xi32>
    %reduce_min3A_168 = vector.multi_reduction <minsi>, %select_n3A_166, %reduce_min3A_167 [0] : vector<512x512xi32> to vector<512xi32>
    %broadcast_in_dim3A_169 = vector.shape_cast %reduce_min3A_168 : vector<512xi32> to vector<1x512xi32>
    %eq3A_170 = vector.broadcast %broadcast_in_dim3A_169 : vector<1x512xi32> to vector<512x512xi32>
    %eq3A_171 = arith.cmpi eq, %iota3A_29, %eq3A_170 : vector<512x512xi32>
    %jit3A_172 = arith.constant -3.000000e+38 : f32
    %broadcast_in_dim3A_173 = vector.broadcast %jit3A_172 : f32 to vector<512x512xf32>
    %select_n3A_174 = arith.select %eq3A_171, %broadcast_in_dim3A_173, %get3A_158 : vector<512x512xi1>, vector<512x512xf32>
    %swap3A_175 = arith.constant 0 : index
    %swap3A_176 = arith.constant 0 : index
    %swap3A_177 = vector.load %arg12[%swap3A_175, %swap3A_176] : memref<512x512xf32, #tpu.memory_space<vmem>>, vector<512x512xf32>
    tpu.vector_store %arg12[%swap3A_175, %swap3A_176], %select_n3A_174 {strides = array<i32>} : memref<512x512xf32, #tpu.memory_space<vmem>>, vector<512x512xf32>,
    %get3A_178 = arith.constant 0 : index
    %get3A_179 = arith.constant 0 : index
    %get3A_180 = vector.load %arg12[%get3A_178, %get3A_179] : memref<512x512xf32, #tpu.memory_space<vmem>>, vector<512x512xf32>
    %reduce_max3A_181 = arith.constant dense<0xFF800000> : vector<512xf32>
    %reduce_max3A_182 = vector.multi_reduction <maximumf>, %get3A_180, %reduce_max3A_181 [0] : vector<512x512xf32> to vector<512xf32>
    %broadcast_in_dim3A_183 = vector.shape_cast %reduce_max3A_182 : vector<512xf32> to vector<1x512xf32>
    %eq3A_184 = vector.broadcast %broadcast_in_dim3A_183 : vector<1x512xf32> to vector<512x512xf32>
    %eq3A_185 = arith.cmpf oeq, %get3A_180, %eq3A_184 : vector<512x512xf32>
    %jit3A_186 = arith.constant 512 : i32
    %broadcast_in_dim3A_187 = vector.broadcast %jit3A_186 : i32 to vector<512x512xi32>
    %select_n3A_188 = arith.select %eq3A_185, %iota3A_29, %broadcast_in_dim3A_187 : vector<512x512xi1>, vector<512x512xi32>
    %reduce_min3A_189 = arith.constant dense<2147483647> : vector<512xi32>
    %reduce_min3A_190 = vector.multi_reduction <minsi>, %select_n3A_188, %reduce_min3A_189 [0] : vector<512x512xi32> to vector<512xi32>
    %broadcast_in_dim3A_191 = vector.shape_cast %reduce_min3A_190 : vector<512xi32> to vector<1x512xi32>
    %eq3A_192 = vector.broadcast %broadcast_in_dim3A_191 : vector<1x512xi32> to vector<512x512xi32>
    %eq3A_193 = arith.cmpi eq, %iota3A_29, %eq3A_192 : vector<512x512xi32>
    %jit3A_194 = arith.constant -3.000000e+38 : f32
    %broadcast_in_dim3A_195 = vector.broadcast %jit3A_194 : f32 to vector<512x512xf32>
    %select_n3A_196 = arith.select %eq3A_193, %broadcast_in_dim3A_195, %get3A_180 : vector<512x512xi1>, vector<512x512xf32>
    %swap3A_197 = arith.constant 0 : index
    %swap3A_198 = arith.constant 0 : index
    %swap3A_199 = vector.load %arg12[%swap3A_197, %swap3A_198] : memref<512x512xf32, #tpu.memory_space<vmem>>, vector<512x512xf32>
    tpu.vector_store %arg12[%swap3A_197, %swap3A_198], %select_n3A_196 {strides = array<i32>} : memref<512x512xf32, #tpu.memory_space<vmem>>, vector<512x512xf32>,
    %get3A_200 = arith.constant 0 : index
    %get3A_201 = arith.constant 0 : index
    %get3A_202 = vector.load %arg12[%get3A_200, %get3A_201] : memref<512x512xf32, #tpu.memory_space<vmem>>, vector<512x512xf32>
    %reduce_max3A_203 = arith.constant dense<0xFF800000> : vector<512xf32>
    %reduce_max3A_204 = vector.multi_reduction <maximumf>, %get3A_202, %reduce_max3A_203 [0] : vector<512x512xf32> to vector<512xf32>
    %broadcast_in_dim3A_205 = vector.shape_cast %reduce_max3A_204 : vector<512xf32> to vector<1x512xf32>
    %eq3A_206 = vector.broadcast %broadcast_in_dim3A_205 : vector<1x512xf32> to vector<512x512xf32>
    %eq3A_207 = arith.cmpf oeq, %get3A_202, %eq3A_206 : vector<512x512xf32>
    %jit3A_208 = arith.constant 512 : i32
    %broadcast_in_dim3A_209 = vector.broadcast %jit3A_208 : i32 to vector<512x512xi32>
    %select_n3A_210 = arith.select %eq3A_207, %iota3A_29, %broadcast_in_dim3A_209 : vector<512x512xi1>, vector<512x512xi32>
    %reduce_min3A_211 = arith.constant dense<2147483647> : vector<512xi32>
    %reduce_min3A_212 = vector.multi_reduction <minsi>, %select_n3A_210, %reduce_min3A_211 [0] : vector<512x512xi32> to vector<512xi32>
    %broadcast_in_dim3A_213 = vector.shape_cast %reduce_min3A_212 : vector<512xi32> to vector<1x512xi32>
    %eq3A_214 = vector.broadcast %broadcast_in_dim3A_213 : vector<1x512xi32> to vector<512x512xi32>
    %eq3A_215 = arith.cmpi eq, %iota3A_29, %eq3A_214 : vector<512x512xi32>
    %jit3A_216 = arith.constant -3.000000e+38 : f32
    %broadcast_in_dim3A_217 = vector.broadcast %jit3A_216 : f32 to vector<512x512xf32>
    %select_n3A_218 = arith.select %eq3A_215, %broadcast_in_dim3A_217, %get3A_202 : vector<512x512xi1>, vector<512x512xf32>
    %swap3A_219 = arith.constant 0 : index
    %swap3A_220 = arith.constant 0 : index
    %swap3A_221 = vector.load %arg12[%swap3A_219, %swap3A_220] : memref<512x512xf32, #tpu.memory_space<vmem>>, vector<512x512xf32>
    tpu.vector_store %arg12[%swap3A_219, %swap3A_220], %select_n3A_218 {strides = array<i32>} : memref<512x512xf32, #tpu.memory_space<vmem>>, vector<512x512xf32>,
    %get3A_222 = arith.constant 0 : index
    %get3A_223 = arith.constant 0 : index
    %get3A_224 = vector.load %arg12[%get3A_222, %get3A_223] : memref<512x512xf32, #tpu.memory_space<vmem>>, vector<512x512xf32>
    %reduce_max3A_225 = arith.constant dense<0xFF800000> : vector<512xf32>
    %reduce_max3A_226 = vector.multi_reduction <maximumf>, %get3A_224, %reduce_max3A_225 [0] : vector<512x512xf32> to vector<512xf32>
    %broadcast_in_dim3A_227 = vector.shape_cast %reduce_max3A_226 : vector<512xf32> to vector<1x512xf32>
    %eq3A_228 = vector.broadcast %broadcast_in_dim3A_227 : vector<1x512xf32> to vector<512x512xf32>
    %eq3A_229 = arith.cmpf oeq, %get3A_224, %eq3A_228 : vector<512x512xf32>
    %jit3A_230 = arith.constant 512 : i32
    %broadcast_in_dim3A_231 = vector.broadcast %jit3A_230 : i32 to vector<512x512xi32>
    %select_n3A_232 = arith.select %eq3A_229, %iota3A_29, %broadcast_in_dim3A_231 : vector<512x512xi1>, vector<512x512xi32>
    %reduce_min3A_233 = arith.constant dense<2147483647> : vector<512xi32>
    %reduce_min3A_234 = vector.multi_reduction <minsi>, %select_n3A_232, %reduce_min3A_233 [0] : vector<512x512xi32> to vector<512xi32>
    %broadcast_in_dim3A_235 = vector.shape_cast %reduce_min3A_234 : vector<512xi32> to vector<1x512xi32>
    %eq3A_236 = vector.broadcast %broadcast_in_dim3A_235 : vector<1x512xi32> to vector<512x512xi32>
    %eq3A_237 = arith.cmpi eq, %iota3A_29, %eq3A_236 : vector<512x512xi32>
    %jit3A_238 = arith.constant -3.000000e+38 : f32
    %broadcast_in_dim3A_239 = vector.broadcast %jit3A_238 : f32 to vector<512x512xf32>
    %select_n3A_240 = arith.select %eq3A_237, %broadcast_in_dim3A_239, %get3A_224 : vector<512x512xi1>, vector<512x512xf32>
    %swap3A_241 = arith.constant 0 : index
    %swap3A_242 = arith.constant 0 : index
    %swap3A_243 = vector.load %arg12[%swap3A_241, %swap3A_242] : memref<512x512xf32, #tpu.memory_space<vmem>>, vector<512x512xf32>
    tpu.vector_store %arg12[%swap3A_241, %swap3A_242], %select_n3A_240 {strides = array<i32>} : memref<512x512xf32, #tpu.memory_space<vmem>>, vector<512x512xf32>,
    %eq3A_244 = vector.broadcast %broadcast_in_dim3A_37 : vector<1x512xi32> to vector<512x512xi32>
    %eq3A_245 = arith.cmpi eq, %iota3A_29, %eq3A_244 : vector<512x512xi32>
    %convert_element_type3A_246 = arith.extui %eq3A_245 : vector<512x512xi1> to vector<512x512xi32>
    %convert_element_type3A_247 = arith.sitofp %convert_element_type3A_246 : vector<512x512xi32> to vector<512x512xf32>
    %eq3A_248 = vector.broadcast %broadcast_in_dim3A_59 : vector<1x512xi32> to vector<512x512xi32>
    %eq3A_249 = arith.cmpi eq, %iota3A_29, %eq3A_248 : vector<512x512xi32>
    %convert_element_type3A_250 = arith.extui %eq3A_249 : vector<512x512xi1> to vector<512x512xi32>
    %convert_element_type3A_251 = arith.sitofp %convert_element_type3A_250 : vector<512x512xi32> to vector<512x512xf32>
    %add3A = arith.addf %convert_element_type3A_247, %convert_element_type3A_251 : vector<512x512xf32>
    %eq3A_252 = vector.broadcast %broadcast_in_dim3A_81 : vector<1x512xi32> to vector<512x512xi32>
    %eq3A_253 = arith.cmpi eq, %iota3A_29, %eq3A_252 : vector<512x512xi32>
    %convert_element_type3A_254 = arith.extui %eq3A_253 : vector<512x512xi1> to vector<512x512xi32>
    %convert_element_type3A_255 = arith.sitofp %convert_element_type3A_254 : vector<512x512xi32> to vector<512x512xf32>
    %add3A_256 = arith.addf %add3A, %convert_element_type3A_255 : vector<512x512xf32>
    %eq3A_257 = vector.broadcast %broadcast_in_dim3A_103 : vector<1x512xi32> to vector<512x512xi32>
    %eq3A_258 = arith.cmpi eq, %iota3A_29, %eq3A_257 : vector<512x512xi32>
    %convert_element_type3A_259 = arith.extui %eq3A_258 : vector<512x512xi1> to vector<512x512xi32>
    %convert_element_type3A_260 = arith.sitofp %convert_element_type3A_259 : vector<512x512xi32> to vector<512x512xf32>
    %add3A_261 = arith.addf %add3A_256, %convert_element_type3A_260 : vector<512x512xf32>
    %eq3A_262 = vector.broadcast %broadcast_in_dim3A_125 : vector<1x512xi32> to vector<512x512xi32>
    %eq3A_263 = arith.cmpi eq, %iota3A_29, %eq3A_262 : vector<512x512xi32>
    %convert_element_type3A_264 = arith.extui %eq3A_263 : vector<512x512xi1> to vector<512x512xi32>
    %convert_element_type3A_265 = arith.sitofp %convert_element_type3A_264 : vector<512x512xi32> to vector<512x512xf32>
    %add3A_266 = arith.addf %add3A_261, %convert_element_type3A_265 : vector<512x512xf32>
    %eq3A_267 = vector.broadcast %broadcast_in_dim3A_147 : vector<1x512xi32> to vector<512x512xi32>
    %eq3A_268 = arith.cmpi eq, %iota3A_29, %eq3A_267 : vector<512x512xi32>
    %convert_element_type3A_269 = arith.extui %eq3A_268 : vector<512x512xi1> to vector<512x512xi32>
    %convert_element_type3A_270 = arith.sitofp %convert_element_type3A_269 : vector<512x512xi32> to vector<512x512xf32>
    %add3A_271 = arith.addf %add3A_266, %convert_element_type3A_270 : vector<512x512xf32>
    %eq3A_272 = vector.broadcast %broadcast_in_dim3A_169 : vector<1x512xi32> to vector<512x512xi32>
    %eq3A_273 = arith.cmpi eq, %iota3A_29, %eq3A_272 : vector<512x512xi32>
    %convert_element_type3A_274 = arith.extui %eq3A_273 : vector<512x512xi1> to vector<512x512xi32>
    %convert_element_type3A_275 = arith.sitofp %convert_element_type3A_274 : vector<512x512xi32> to vector<512x512xf32>
    %add3A_276 = arith.addf %add3A_271, %convert_element_type3A_275 : vector<512x512xf32>
    %eq3A_277 = vector.broadcast %broadcast_in_dim3A_191 : vector<1x512xi32> to vector<512x512xi32>
    %eq3A_278 = arith.cmpi eq, %iota3A_29, %eq3A_277 : vector<512x512xi32>
    %convert_element_type3A_279 = arith.extui %eq3A_278 : vector<512x512xi1> to vector<512x512xi32>
    %convert_element_type3A_280 = arith.sitofp %convert_element_type3A_279 : vector<512x512xi32> to vector<512x512xf32>
    %add3A_281 = arith.addf %add3A_276, %convert_element_type3A_280 : vector<512x512xf32>
    %eq3A_282 = vector.broadcast %broadcast_in_dim3A_213 : vector<1x512xi32> to vector<512x512xi32>
    %eq3A_283 = arith.cmpi eq, %iota3A_29, %eq3A_282 : vector<512x512xi32>
    %convert_element_type3A_284 = arith.extui %eq3A_283 : vector<512x512xi1> to vector<512x512xi32>
    %convert_element_type3A_285 = arith.sitofp %convert_element_type3A_284 : vector<512x512xi32> to vector<512x512xf32>
    %add3A_286 = arith.addf %add3A_281, %convert_element_type3A_285 : vector<512x512xf32>
    %eq3A_287 = vector.broadcast %broadcast_in_dim3A_235 : vector<1x512xi32> to vector<512x512xi32>
    %eq3A_288 = arith.cmpi eq, %iota3A_29, %eq3A_287 : vector<512x512xi32>
    %convert_element_type3A_289 = arith.extui %eq3A_288 : vector<512x512xi1> to vector<512x512xi32>
    %convert_element_type3A_290 = arith.sitofp %convert_element_type3A_289 : vector<512x512xi32> to vector<512x512xf32>
    %add3A_291 = arith.addf %add3A_286, %convert_element_type3A_290 : vector<512x512xf32>
    %broadcast_in_dim3A_292 = arith.constant 1.000000e+00 : f32
    %broadcast_in_dim3A_293 = vector.broadcast %broadcast_in_dim3A_292 : f32 to vector<512x1xf32>
    %dot_general3A_294 = arith.constant dense<0.000000e+00> : vector<512x1xf32>
    %dot_general3A_295 = tpu.matmul %add3A_291, %broadcast_in_dim3A_293, %dot_general3A_294 {dimension_numbers = #tpu.dot_dimension_numbers<[1], [0], [0], [1], [0, 0, 1, 1], [], []>, transpose_lhs_hint = false} : vector<512x512xf32>, vector<512x1xf32>, vector<512x1xf32> -> vector<512x1xf32>
    %max3A = arith.constant 9.99999996E-13 : f32
    %max3A_296 = vector.broadcast %max3A : f32 to vector<512x1xf32>
    %max3A_297 = arith.maximumf %dot_general3A_295, %max3A_296 : vector<512x1xf32>
    %rsqrt3A = math.rsqrt %max3A_297 : vector<512x1xf32>
    %mul3A_298 = arith.mulf %rsqrt3A, %convert_element_type3A_18 : vector<512x1xf32>
    %get3A_299 = arith.constant 0 : index
    %get3A_300 = arith.constant 0 : index
    %get3A_301 = vector.load %arg5[%get3A_299, %get3A_300] : memref<128x128xf32, #tpu.memory_space<vmem>>, vector<128x128xf32>
    %dot_general3A_302 = arith.constant dense<0.000000e+00> : vector<512x128xf32>
    %dot_general3A_303 = tpu.matmul %get3A_10, %get3A_301, %dot_general3A_302 {dimension_numbers = #tpu.dot_dimension_numbers<[1], [0], [0], [1], [0, 0, 1, 1], [], []>, transpose_lhs_hint = false} : vector<512x128xf32>, vector<128x128xf32>, vector<512x128xf32> -> vector<512x128xf32>
    %get3A_304 = arith.constant 0 : index
    %get3A_305 = arith.constant 0 : index
    %get3A_306 = vector.load %arg6[%get3A_304, %get3A_305] : memref<128x128xf32, #tpu.memory_space<vmem>>, vector<128x128xf32>
    %dot_general3A_307 = arith.constant dense<0.000000e+00> : vector<512x128xf32>
    %dot_general3A_308 = tpu.matmul %get3A_15, %get3A_306, %dot_general3A_307 {dimension_numbers = #tpu.dot_dimension_numbers<[1], [0], [0], [1], [0, 0, 1, 1], [], []>, transpose_lhs_hint = false} : vector<512x128xf32>, vector<128x128xf32>, vector<512x128xf32> -> vector<512x128xf32>
    %add3A_309 = arith.addf %dot_general3A_303, %dot_general3A_308 : vector<512x128xf32>
    %mul3A_310 = vector.broadcast %mul3A_298 : vector<512x1xf32> to vector<512x128xf32>
    %mul3A_311 = arith.mulf %add3A_309, %mul3A_310 : vector<512x128xf32>
    %dot_general3A_312 = arith.constant dense<0.000000e+00> : vector<512x128xf32>
    %dot_general3A_313 = tpu.matmul %add3A_291, %mul3A_311, %dot_general3A_312 {dimension_numbers = #tpu.dot_dimension_numbers<[1], [0], [0], [1], [0, 0, 1, 1], [], []>, transpose_lhs_hint = false} : vector<512x512xf32>, vector<512x128xf32>, vector<512x128xf32> -> vector<512x128xf32>
    %mul3A_314 = vector.broadcast %mul3A_298 : vector<512x1xf32> to vector<512x128xf32>
    %mul3A_315 = arith.mulf %dot_general3A_313, %mul3A_314 : vector<512x128xf32>
    %get3A_316 = arith.constant 0 : index
    %get3A_317 = arith.constant 0 : index
    %get3A_318 = vector.load %arg7[%get3A_316, %get3A_317] : memref<1x128xf32, #tpu.memory_space<vmem>>, vector<1x128xf32>
    %add3A_319 = vector.broadcast %get3A_318 : vector<1x128xf32> to vector<512x128xf32>
    %add3A_320 = arith.addf %mul3A_315, %add3A_319 : vector<512x128xf32>
    %max3A_321 = arith.constant 0.000000e+00 : f32
    %max3A_322 = vector.broadcast %max3A_321 : f32 to vector<512x128xf32>
    %max3A_323 = arith.maximumf %add3A_320, %max3A_322 : vector<512x128xf32>
    %get3A_324 = arith.constant 0 : index
    %get3A_325 = arith.constant 0 : index
    %get3A_326 = vector.load %arg8[%get3A_324, %get3A_325] : memref<128x128xf32, #tpu.memory_space<vmem>>, vector<128x128xf32>
    %dot_general3A_327 = arith.constant dense<0.000000e+00> : vector<512x128xf32>
    %dot_general3A_328 = tpu.matmul %max3A_323, %get3A_326, %dot_general3A_327 {dimension_numbers = #tpu.dot_dimension_numbers<[1], [0], [0], [1], [0, 0, 1, 1], [], []>, transpose_lhs_hint = false} : vector<512x128xf32>, vector<128x128xf32>, vector<512x128xf32> -> vector<512x128xf32>
    %mul3A_329 = vector.broadcast %mul3A_298 : vector<512x1xf32> to vector<512x128xf32>
    %mul3A_330 = arith.mulf %dot_general3A_328, %mul3A_329 : vector<512x128xf32>
    %dot_general3A_331 = arith.constant dense<0.000000e+00> : vector<512x128xf32>
    %dot_general3A_332 = tpu.matmul %add3A_291, %mul3A_330, %dot_general3A_331 {dimension_numbers = #tpu.dot_dimension_numbers<[1], [0], [0], [1], [0, 0, 1, 1], [], []>, transpose_lhs_hint = false} : vector<512x512xf32>, vector<512x128xf32>, vector<512x128xf32> -> vector<512x128xf32>
    %mul3A_333 = vector.broadcast %mul3A_298 : vector<512x1xf32> to vector<512x128xf32>
    %mul3A_334 = arith.mulf %dot_general3A_332, %mul3A_333 : vector<512x128xf32>
    %get3A_335 = arith.constant 0 : index
    %get3A_336 = arith.constant 0 : index
    %get3A_337 = vector.load %arg9[%get3A_335, %get3A_336] : memref<1x128xf32, #tpu.memory_space<vmem>>, vector<1x128xf32>
    %add3A_338 = vector.broadcast %get3A_337 : vector<1x128xf32> to vector<512x128xf32>
    %add3A_339 = arith.addf %mul3A_334, %add3A_338 : vector<512x128xf32>
    %reduce_max3A_340 = arith.constant dense<0xFF800000> : vector<128xf32>
    %reduce_max3A_341 = vector.multi_reduction <maximumf>, %add3A_339, %reduce_max3A_340 [0] : vector<512x128xf32> to vector<128xf32>
    %broadcast_in_dim3A_342 = vector.shape_cast %reduce_max3A_341 : vector<128xf32> to vector<1x128xf32>
    %get3A_343 = arith.constant 0 : index
    %get3A_344 = arith.constant 0 : index
    %get3A_345 = vector.load %arg10[%get3A_343, %get3A_344] : memref<1x128xf32, #tpu.memory_space<vmem>>, vector<1x128xf32>
    %mul3A_346 = arith.mulf %broadcast_in_dim3A_342, %get3A_345 : vector<1x128xf32>
    %reduce_sum3A = vector.shape_cast %mul3A_346 : vector<1x128xf32> to vector<1x1x128xf32>
    %reduce_sum3A_347 = arith.constant dense<0.000000e+00> : vector<1xf32>
    %reduce_sum3A_348 = vector.multi_reduction <add>, %reduce_sum3A, %reduce_sum3A_347 [1, 2] : vector<1x1x128xf32> to vector<1xf32>
    %reduce_sum3A_349 = vector.shape_cast %reduce_sum3A_348 : vector<1xf32> to vector<1x1x1xf32>
    %reduce_sum3A_350 = vector.extract %reduce_sum3A_349[0, 0, 0] : f32 from vector<1x1x1xf32>
    %logistic3A = arith.negf %reduce_sum3A_350 : f32
    %logistic3A_351 = math.exp %logistic3A : f32
    %logistic3A_352 = arith.constant 1.000000e+00 : f32
    %logistic3A_353 = arith.addf %logistic3A_352, %logistic3A_351 : f32
    %logistic3A_354 = arith.divf %logistic3A_352, %logistic3A_353 : f32
    %broadcast_in_dim3A_355 = vector.broadcast %logistic3A_354 : f32 to vector<1x1x128xf32>
    %swap3A_356 = arith.constant 0 : index
    %swap3A_357 = arith.constant 0 : index
    %swap3A_358 = arith.constant 0 : index
    %swap3A_359 = vector.load %arg11[%swap3A_356, %swap3A_357, %swap3A_358] : memref<1x1x128xf32, #tpu.memory_space<vmem>>, vector<1x1x128xf32>
    tpu.vector_store %arg11[%swap3A_356, %swap3A_357, %swap3A_358], %broadcast_in_dim3A_355 {strides = array<i32>} : memref<1x1x128xf32, #tpu.memory_space<vmem>>, vector<1x1x128xf32>,
    return
  }
  func.func @transform_0(%arg0: i32) -> i32 {
    %c0_i32 = arith.constant 0 : i32
    %c0_i32_0 = arith.constant 0 : i32
    return %c0_i32 : i32
  }
  func.func @transform_1(%arg0: i32) -> (i32, i32, i32) {
    %c0_i32 = arith.constant 0 : i32
    %c0_i32_0 = arith.constant 0 : i32
    %c0_i32_1 = arith.constant 0 : i32
    return %arg0, %c0_i32, %c0_i32_0 : i32, i32, i32
  }
  func.func @transform_2(%arg0: i32) -> (i32, i32, i32) {
    %c0_i32 = arith.constant 0 : i32
    %c0_i32_0 = arith.constant 0 : i32
    %c0_i32_1 = arith.constant 0 : i32
    return %arg0, %c0_i32, %c0_i32_0 : i32, i32, i32
  }
  func.func @transform_3(%arg0: i32) -> (i32, i32, i32) {
    %c0_i32 = arith.constant 0 : i32
    %c0_i32_0 = arith.constant 0 : i32
    %c0_i32_1 = arith.constant 0 : i32
    return %arg0, %c0_i32, %c0_i32_0 : i32, i32, i32
  }
  func.func @transform_4(%arg0: i32) -> (i32, i32) {
    %c0_i32 = arith.constant 0 : i32
    %c0_i32_0 = arith.constant 0 : i32
    %c0_i32_1 = arith.constant 0 : i32
    return %c0_i32, %c0_i32_0 : i32, i32
  }
  func.func @transform_5(%arg0: i32) -> (i32, i32) {
    %c0_i32 = arith.constant 0 : i32
    %c0_i32_0 = arith.constant 0 : i32
    %c0_i32_1 = arith.constant 0 : i32
    return %c0_i32, %c0_i32_0 : i32, i32
  }
  func.func @transform_6(%arg0: i32) -> (i32, i32) {
    %c0_i32 = arith.constant 0 : i32
    %c0_i32_0 = arith.constant 0 : i32
    %c0_i32_1 = arith.constant 0 : i32
    return %c0_i32, %c0_i32_0 : i32, i32
  }
  func.func @transform_7(%arg0: i32) -> (i32, i32) {
    %c0_i32 = arith.constant 0 : i32
    %c0_i32_0 = arith.constant 0 : i32
    %c0_i32_1 = arith.constant 0 : i32
    return %c0_i32, %c0_i32_0 : i32, i32
  }
  func.func @transform_8(%arg0: i32) -> (i32, i32) {
    %c0_i32 = arith.constant 0 : i32
    %c0_i32_0 = arith.constant 0 : i32
    %c0_i32_1 = arith.constant 0 : i32
    return %c0_i32, %c0_i32_0 : i32, i32
  }
  func.func @transform_9(%arg0: i32) -> (i32, i32) {
    %c0_i32 = arith.constant 0 : i32
    %c0_i32_0 = arith.constant 0 : i32
    %c0_i32_1 = arith.constant 0 : i32
    return %c0_i32, %c0_i32_0 : i32, i32
  }
  func.func @transform_10(%arg0: i32) -> (i32, i32, i32) {
    %c0_i32 = arith.constant 0 : i32
    %c0_i32_0 = arith.constant 0 : i32
    %c0_i32_1 = arith.constant 0 : i32
    return %arg0, %c0_i32, %c0_i32_0 : i32, i32, i32
  }
}

</mosaic_0001>

<sc_bundles>
// kernel: kernel.5.cloned.1.call-start
scs
__scs_entry_jumppad:
0x0: {  	(pc) =	sbr.rel $0x88, $3  }
0x1: {  	(tag) =	ssettag $0x0;
	lr =	simm.s32 $0x1  }
0x2: {  	[smem:$0x3F93] =	sst lr;
	_ =	strace $0xD0000000  }
0x3: {  	_ = 	snop  }
0x4: {  	_ = 	snop  }
0x5: {  	_ = 	snop  }
0x6: {  	_ = 	snop  }
0x7: {  	_ = 	snop  }
__scs_overlays_trampoline_lowered:
0x8: {  	[smem:$0x3FA2] =	sst s0  }
0x9: {  	[smem:$0x3FA3] =	sst s1  }
0xa: {  	[smem:$0x3FA4] =	sst s2  }
0xb: {  	[smem:$0x3FA5] =	sst s3  }
0xc: {  	[smem:$0x3FA6] =	sst s4  }
0xd: {  	[smem:$0x3FA7] =	sst s5  }
0xe: {  	[smem:$0x3FA8] =	sst s6  }
0xf: {  	[smem:$0x3FA9] =	sst s7  }
0x10: {  	[smem:$0x3FAA] =	sst s8  }
0x11: {  	[smem:$0x3FAB] =	sst s9;
	s0 =	simm.s32 @!p0 $0x0  }
0x12: {  	s1 =	sld [smem:$0x3F91];
	s0 =	simm.s32 @p0 $0x1  }
0x13: {  	[smem:$0x3FAC] =	sst s0;
	s0 =	simm.s32 @!p1 $0x0  }
0x14: {  	s2 =	sld [smem:$0x3F90];
	s0 =	simm.s32 @p1 $0x1  }
0x15: {  	[smem:$0x3FAD] =	sst s0;
	s0 =	simm.s32 @!p2 $0x0  }
0x16: {  	s3 =	sld [smem:$0x3FDB];
	s0 =	simm.s32 @p2 $0x1  }
0x17: {  	s4 =	simm.s32 $0x1BF5;
	[smem:$0x3FAF] =	sst s0  }
0x18: {  	s0 =	sld [smem:$0x3F92];
	_ =	swait.ge [sflag:s4], $0x0  }
0x19: {  	s7 =	sld [smem:$0x3F93]  }
0x1a: {  	s8 =	sadd.s32 $0xFFFFE003, lr  }
0x1b: {  	s9 =	sadd.s32 $0xFFFFFEF7, lr;
	s5 =	simm.s32 $0xFFFFFFFF;
	p2 =	slt.u32 s8, $0xFFFFF086  }
0x1c: {  	p1 =	slt.u32 s9, $0xF7A;
	s5 =	simm.s32 @!p2 $0x0  }
0x1d: {  	s5 =	simm.s32 @p1 $0x1;
	p0 =	seq.s32 s7, s2  }
0x1e: {  	s7 =	smul.u32 @!p0 $0xF7A, s2;
	p2 =	seq.s32 @!p0 s5, $0x0  }
0x1f: {  	s9 =	smul.u32 $0xF7A, s1;
	s8 =	simm.s32 @!p0 $0x1BF5;
	p2 =	por !p2, p0  }
0x20: {  	[sflag:s8] =	ssyncset.s32 @!p0 $0xFFFFF086;
	s6 =	sadd.s32 @!p0 s3, s7;
	s7 =	simm.s32 @!p0 $0x108  }
0x21: {  	s3 =	sadd.s32 s3, s9;
	s6 =	sadd.s32 @!p0 $0x88, s6;
	s7 =	simm.s32 @p2 $0x1082  }
0x22: {  	[simem:s7], [sflag:s8] =	dma.local @!p0 [hbm:s6], $0xF7A  }
0x23: {  	s9 =	sor.u32 $0xD0000000, s2;
	s6 =	simm.s32 $0x108;
	_ =	swait.ge @!p0 [sflag:s8], $0x0  }
0x24: {  	s3 =	sadd.s32 $0x88, s3;
	s6 =	simm.s32 @!p1 $0x1082;
	[sflag:s4] =	ssyncset.s32 $0xFFFFF086  }
0x25: {  	[simem:s6], [sflag:s4] =	dma.local [hbm:s3], $0xF7A  }
0x26: {  	[smem:$0x3F93] =	sst s1;
	(tag) =	ssettag s2;
	_ =	strace s9  }
0x27: {  	s1 =	sld [smem:$0x3FA3]  }
0x28: {  	s2 =	sld [smem:$0x3FA4]  }
0x29: {  	s4 =	sld [smem:$0x3FA6]  }
0x2a: {  	p0 =	seq.s32 s5, $0x0;
	s5 =	sld [smem:$0x3FA7]  }
0x2b: {  	s6 =	sld [smem:$0x3FA8]  }
0x2c: {  	s7 =	sld [smem:$0x3FA9]  }
0x2d: {  	s3 =	simm.s32 $0x108;
	s8 =	sld [smem:$0x3FAA]  }
0x2e: {  	s3 =	simm.s32 @!p0 $0x1082;
	s9 =	sld [smem:$0x3FAB]  }
0x2f: {  	lr =	sadd.s32 s0, s3;
	s0 =	sld [smem:$0x3FA2]  }
0x30: {  	s3 =	sld [smem:$0x3FA5]  }
0x31: {  	[smem:$0x3FAE] =	sst s10  }
0x32: {  	s10 =	sld [smem:$0x3FAC];
	_ =	sdelay $0x3  }
0x33: {  	p0 =	seq.s32 s10, $0x1;
	s10 =	sld [smem:$0x3FAE];
	_ =	sdelay $0x3  }
0x34: {  	[smem:$0x3FAE] =	sst s10  }
0x35: {  	s10 =	sld [smem:$0x3FAD];
	_ =	sdelay $0x3  }
0x36: {  	p1 =	seq.s32 s10, $0x1;
	s10 =	sld [smem:$0x3FAE];
	_ =	sdelay $0x3  }
0x37: {  	[smem:$0x3FAE] =	sst s10  }
0x38: {  	s10 =	sld [smem:$0x3FAF]  }
0x39: {  	_ = 	snop;
	(pc) =	sbr.ind lr, $3  }
0x3a: {  	_ = 	snop  }
0x3b: {  	_ = 	snop  }
0x3c: {  	p2 =	seq.s32 s10, $0x1;
	s10 =	sld [smem:$0x3FAE]  }
0x3d: {  	_ =	shalt  }
0x3e: {  	_ =	shalt  }
0x3f: {  	_ =	shalt  }
0x40: {  	_ =	shalt  }
0x41: {  	_ =	shalt  }
0x42: {  	_ =	shalt  }
0x43: {  	_ =	shalt  }
0x44: {  	_ =	shalt  }
0x45: {  	_ =	shalt  }
0x46: {  	_ =	shalt  }
0x47: {  	_ =	shalt  }
0x48: {  	_ =	shalt  }
0x49: {  	_ =	shalt  }
0x4a: {  	_ =	shalt  }
0x4b: {  	_ =	shalt  }
0x4c: {  	_ =	shalt  }
0x4d: {  	_ =	shalt  }
0x4e: {  	_ =	shalt  }
0x4f: {  	_ =	shalt  }
0x50: {  	_ =	shalt  }
0x51: {  	_ =	shalt  }
0x52: {  	_ =	shalt  }
0x53: {  	_ =	shalt  }
0x54: {  	_ =	shalt  }
0x55: {  	_ =	shalt  }
0x56: {  	_ =	shalt  }
0x57: {  	_ =	shalt  }
0x58: {  	_ =	shalt  }
0x59: {  	_ =	shalt  }
0x5a: {  	_ =	shalt  }
0x5b: {  	_ =	shalt  }
0x5c: {  	_ =	shalt  }
0x5d: {  	_ =	shalt  }
0x5e: {  	_ =	shalt  }
0x5f: {  	_ =	shalt  }
0x60: {  	_ =	shalt  }
0x61: {  	_ =	shalt  }
0x62: {  	_ =	shalt  }
0x63: {  	_ =	shalt  }
0x64: {  	_ =	shalt  }
0x65: {  	_ =	shalt  }
0x66: {  	_ =	shalt  }
0x67: {  	_ =	shalt  }
0x68: {  	_ =	shalt  }
0x69: {  	_ =	shalt  }
0x6a: {  	_ =	shalt  }
0x6b: {  	_ =	shalt  }
0x6c: {  	_ =	shalt  }
0x6d: {  	_ =	shalt  }
0x6e: {  	_ =	shalt  }
0x6f: {  	_ =	shalt  }
0x70: {  	_ =	shalt  }
0x71: {  	_ =	shalt  }
0x72: {  	_ =	shalt  }
0x73: {  	_ =	shalt  }
0x74: {  	_ =	shalt  }
0x75: {  	_ =	shalt  }
0x76: {  	_ =	shalt  }
0x77: {  	_ =	shalt  }
0x78: {  	_ =	shalt  }
0x79: {  	_ =	shalt  }
0x7a: {  	_ =	shalt  }
0x7b: {  	_ =	shalt  }
0x7c: {  	_ =	shalt  }
0x7d: {  	_ =	shalt  }
0x7e: {  	_ =	shalt  }
0x7f: {  	_ =	shalt  }
0x80: {  	_ =	shalt  }
0x81: {  	_ =	shalt  }
0x82: {  	_ =	shalt  }
0x83: {  	_ =	shalt  }
0x84: {  	_ =	shalt  }
0x85: {  	_ =	shalt  }
0x86: {  	_ =	shalt  }
0x87: {  	_ =	shalt  }
.Lfunc_end0:
.L_simem_size_0:
called_computation_lowered:
.L_overlay_start_0:
0x88: {  	s2 =	sld [smem:$0x3FD9]  }
0x89: {  	s3 =	sld [smem:$0x3FFE];
	_ =	sdelay $0x1  }
0x8a: {  	s1 =	srdreg.scid  }
0x8b: {  	s0 =	sand.u32 $0x1, s1  }
0x8c: {  	s17 =	sshll.u32 s0, $0xA;
	s2 =	sadd.s32 s3, s2  }
0x8d: {  	s2 =	sadd.s32 s2, s17  }
0x8e: {  	[smem:$0x3FBA] =	sst s2  }
0x8f: {  	_ = 	snop  }
0x90: {  	s2 =	sld [smem:$0x3FC7];
	(tm) =	ssettm $0x1  }
0x91: {  	s18 =	sld [smem:$0x3FFB];
	_ =	sdelay $0x3  }
0x92: {  	_ =	strace s18  }
0x93: {  	s3 =	sld [smem:$0x3FFC];
	_ =	sdelay $0x3  }
0x94: {  	_ =	strace s3  }
0x95: {  	s3 =	sld [smem:$0x3FFD];
	_ =	sdelay $0x3  }
0x96: {  	_ =	strace s3  }
0x97: {  	_ =	strace $0x8FFFFFFF  }
0x98: {  	s19 =	sld [smem:$0x3FDB];
	_ =	sdelay $0x1  }
0x99: {  	s4 =	simm.s32 $_scs_section_size  }
0x9a: {  	s5 =	simm.s32 $_size__tile_overlayer_lowered;
	s6 =	simm.s32 $_tile_overlayer_lowered  }
0x9b: {  	s22 =	simm.s32 $0x1BFF;
	s21 =	sshll.u32 s6, $0x1;
	s3 =	sadd.s32 s4, s19  }
0x9c: {  	s7 =	simm.s32 $0x0;
	s20 =	sshll.u32 s5, $0x1;
	s5 =	sadd.s32 s21, s3  }
0x9d: {  	[timem:s7], [sflag:s22] =	dma.local [hbm:s5], s20  }
0x9e: {  	_ =	swait.ge [sflag:s22], s20  }
0x9f: {  	s4 =	ssub.s32 $0x0, s20;
	[sflag:s22] =	ssyncset.done $0x0  }
0xa0: {  	[sflag:s22] =	ssyncadd.s32 s4;
	_ =	sdelay $0x1  }
0xa1: {  	s23 =	simm.s32 $0x1B8B  }
0xa2: {  	_ =	swait.ge [sflag:s23], $0x1  }
0xa3: {  	[sflag:s23] =	ssyncset.done $0x0  }
0xa4: {  	s25 =	simm.s32 $0x1B8E;
	s24 =	sld [smem:$0x3FFE];
	[sflag:s23] =	ssyncadd.s32 $0xFFFFFFFF  }
0xa5: {  	s26 =	simm.s32 $execute0_lowered;
	[smem:$0x3FD2] =	sst s25  }
0xa6: {  	s5 =	sshll.u32 s26, $0x1;
	_ =	strace $0x80000046;
	[dreg:$0x1] =	wrdreg $0xFFFFFFFF  }
0xa7: {  	s28 =	simm.s32 $_size_execute0_lowered;
	s3 =	sadd.s32 s3, s5;
	[dreg:$0x0] =	wrdreg $0x0  }
0xa8: {  	s5 =	sshll.u32 s28, $0x1;
	[dreg:$0x2] =	wrdreg s3  }
0xa9: {  	[dreg:$0x3] =	wrdreg s5  }
0xaa: {  	[dreg:$0x4] =	wrdreg $0xC0  }
0xab: {  	_ =	task [dreg:s7], $0x5FFFF  }
0xac: {  	[dreg:$0x1] =	wrdreg $0xFFFFFFFF  }
0xad: {  	[dreg:$0x0] =	wrdreg $0x60  }
0xae: {  	[dreg:$0x2] =	wrdreg s2  }
0xaf: {  	[dreg:$0x3] =	wrdreg s24  }
0xb0: {  	[dreg:$0x4] =	wrdreg $0x9  }
0xb1: {  	_ =	task.clear_ibuf [dreg:s7], $0x5FFFF;
	_ =	strace $0x90000046  }
0xb2: {  	s29 =	simm.s32 $0x9;
	_ =	strace $0x80000048  }
0xb3: {  	_ =	swait.ge [sflag:s29], $0x1  }
0xb4: {  	[sflag:s29] =	ssyncadd.s32 $0xFFFFFFFF  }
0xb5: {  	_ =	strace $0x90000048  }
0xb6: {  	_ =	sfence  }
0xb7: {  	s30 =	sld [smem:$0x0];
	_ =	sdelay $0x2  }
0xb8: {  	s31 =	sshll.u32 s1, $0xD;
	s1 =	sshrl.u32 s1, $0x2  }
0xb9: {  	s3 =	sand.u32 $0x4000, s31;
	s1 =	sadd.s32 s1, s30  }
0xba: {  	s0 =	sor.u32 s3, s0;
	s1 =	sshll.u32 s1, $0x11  }
0xbb: {  	s0 =	sor.u32 s1, s0  }
0xbc: {  	s0 =	sadd.s32 $0x8F2B, s0  }
0xbd: {  	[sflag:s0] =	ssyncadd.remote.s32 $0x1  }
0xbe: {  	_ =	sfence.sel $0xFFFF  }
0xbf: {  	[dreg:$0x0] =	wrdreg $0xFFFFFFFF;
	(pc) =	sbr.abs _section_cstart, $3  }
0xc0: {  	[dreg:$0x1] =	wrdreg $0xFFFFFFFF  }
0xc1: {  	_ =	task.clear_ibuf [dreg:s7], $0x2FFFF;
	_ =	strace $0x9FFFFFFF  }
0xc2: {  	(tm) =	ssettm $0x7FFFFFFF  }
0xc3: {  	_ =	shalt  }
tec
execute0_lowered:
.L_overlay_start_1:
0x0: {  	(tag) =	ssettag $0x1  }
0x1: {  	s1 =	srdreg.scid  }
0x2: {  	s0 =	stileid.u32;
	s6 =	sand.u32 $0x1, s1  }
0x3: {  	s2 =	rddreg [dreg:$0x0];
	s30 =	sshll.u32 s0, $0x9;
	s3 =	sshll.u32 s6, $0x8  }
0x4: {  	s8 =	rddreg [dreg:$0x1];
	s7 =	simm.s32 $0x1;
	s9 =	sor.u32 s3, s30  }
0x5: {  	s1 =	rddreg [dreg:$0x2];
	s3 =	simm.s32 $0x0;
	s4 =	sshrl.u32 s9, $0x3  }
0x6: {  	s10 =	ssub.s32 $0x2, s6;
	[smem:$0x7FF] =	sst s3;
	s4 =	sadd.s32 s4, s8  }
0x7: {  	_ =	strace $0x80000047;
	s5 =	sadd.s32 $0x2600, s4;
	s4 =	simm.s32 $0x2  }
0x8: {  	[tilespmem:s3], [sflag:$0x2] =	stream.linear.gather [hbm4b:s5+s3], $0x100, $0x38;
	[tilespmem:$0x8100] =	vst v63  }
0x9: {  	s6 =	simm.s32 $0x100;
	s11 =	sshrl.u32 s10, $0x1;
	_ =	swait.ge [sflag:s4], $0x100  }
0xa: {  	s9 =	sshll.u32 s9, $0x4;
	s31 =	ssub.s32 s10, s11;
	[sflag:s4] =	ssyncset.done $0x0  }
0xb: {  	s8 =	sadd.s32 s9, s8;
	s9 =	smax.u32 s31, $0x1;
	[sflag:s4] =	ssyncadd.s32 $0xFFFFFF00  }
0xc: {  	[tilespmem:s6], [sflag:$0x1] =	stream.indirect.gather [hbm4b:s2+s6], $0x80, s3, s6, $0xb8;
	[tilespmem:$0x8100] =	vst v63  }
0xd: {  	p0 =	sne.s32 s9, $0x1;
	_ =	swait.ge [sflag:s7], $0x8000  }
.Ltmp0:
0xe: {  	[sflag:s7] =	ssyncset.done $0x0;
	(pc) =	sbr.rel @!p0 .LBB2_2-.Ltmp0, $4  }
0xf: {  	s8 =	sadd.s32 $0x2A00, s8;
	[sflag:s7] =	ssyncadd.s32 $0xFFFF8000  }
0x10: {  	[hbm4b:s8+s3] =	stream.linear.scatter [tilespmem:s6], [sflag:$0x2], $0x8000, $0x38;
	[tilespmem:$0x8100] =	vst v63  }
0x11: {  	_ =	swait.ge [sflag:s4], $0x8000  }
0x12: {  	s9 =	sadd.s32 $0xFFFFFFFF, s9;
	[sflag:s4] =	ssyncset.done $0x0  }
.LBB2_1:
0x13: {  	p0 =	sne.s32 s9, $0x1;
	s9 =	sadd.s32 $0xFFFFFFFF, s9;
	[sflag:s4] =	ssyncadd.s32 $0xFFFF8000  }
0x14: {  	[tilespmem:s3], [sflag:$0x2] =	stream.linear.gather [hbm4b:s5+s3], $0x100, $0x38;
	[tilespmem:$0x8100] =	vst v63  }
0x15: {  	_ =	swait.ge [sflag:s4], $0x100  }
0x16: {  	[sflag:s4] =	ssyncset.done $0x0  }
0x17: {  	[sflag:s4] =	ssyncadd.s32 $0xFFFFFF00  }
0x18: {  	[tilespmem:s6], [sflag:$0x1] =	stream.indirect.gather [hbm4b:s2+s6], $0x80, s3, s6, $0xb8;
	[tilespmem:$0x8100] =	vst v63  }
0x19: {  	_ =	swait.ge [sflag:s7], $0x8000  }
.Ltmp1:
0x1a: {  	[sflag:s7] =	ssyncset.done $0x0;
	(pc) =	sbr.rel @p0 .LBB2_1-.Ltmp1, $4  }
0x1b: {  	[sflag:s7] =	ssyncadd.s32 $0xFFFF8000  }
0x1c: {  	[hbm4b:s8+s3] =	stream.linear.scatter [tilespmem:s6], [sflag:$0x2], $0x8000, $0x38;
	[tilespmem:$0x8100] =	vst v63  }
0x1d: {  	_ =	swait.ge [sflag:s4], $0x8000  }
0x1e: {  	[sflag:s4] =	ssyncset.done $0x0  }
.LBB2_2:
0x1f: {  	[sflag:s4] =	ssyncadd.s32 $0xFFFF8000  }
0x20: {  	_ =	sfence.sel $0x180000  }
0x21: {  	[bflag:$0x0] =	sbarrier.arrive $0xFFFF  }
0x22: {  	p0 =	sne.s32 s0, $0x0;
	_ =	strace $0x90000047  }
0x23: {  	s0 =	sadd.s32 @!p0 $0x100000, s1;
	[bflag:$0x2] =	sbarrier.arrive $0xFFFF  }
0x24: {  	[sflag:s0] =	ssyncadd.tile.s32 @!p0 $0x1;
	_ =	shalt  }
.Lfunc_end2:
_tile_overlayer_lowered:
.L_overlay_start_2:
0x25: {  	(tag) =	ssettag $0x2  }
0x26: {  	s0 =	rddreg [dreg:$0x0];
	s2 =	stileid.u32  }
0x27: {  	s1 =	rddreg [dreg:$0x1];
	p0 =	sne.s32 s2, $0x0  }
0x28: {  	s3 =	rddreg [dreg:$0x2];
	[bflag:$0x3] =	sbarrier.arrive $0xFFFF;
	s2 =	simm.s32 @!p0 $0x1C02  }
0x29: {  	[timem:s3], [sflag:s2] =	dma.local @!p0 [hbm:s0], s1  }
0x2a: {  	s0 =	simm.s32 @!p0 $0x2  }
0x2b: {  	_ =	swait.ge @!p0 [sflag:s0], s1  }
0x2c: {  	s1 =	ssub.s32 @!p0 $0x0, s1;
	[sflag:s0] =	ssyncset.done @!p0 $0x0  }
0x2d: {  	[sflag:s0] =	ssyncadd.s32 @!p0 s1  }
0x2e: {  	[bflag:$0x3] =	sbarrier.arrive $0xFFFF  }
0x2f: {  	_ =	shalt  }

</sc_bundles>
